<compile_context>
chip_gen: v7x
topology: tpu7x:2x2x1
jax: 0.10.2.dev20260603
libtpu: 0.0.44.dev20260713+nightly
codegen_flags: <defaults>
</compile_context>

<pallas_src>
import jax
import jax.numpy as jnp
import numpy as np
from jax import lax
from jax.experimental import pallas as pl
from jax.experimental.pallas import tpu as pltpu
from jax.experimental.pallas import tpu_sc as plsc

_J = 17
_NP = 5
_C = 128
_K = 3
_BT = 256
_NBUF = 6
_NSPLIT = 2

_PART_JOINTS = [[1, 2, 3], [4, 5, 6], [0, 7, 8, 9, 10], [11, 12, 13], [14, 15, 16]]
_JOINT_TO_PART = [2, 0, 0, 0, 1, 1, 1, 2, 2, 2, 2, 3, 3, 3, 4, 4, 4]


def _graph_constants():
    edges = np.array([[0, 2], [1, 2], [2, 3], [2, 4]], dtype=np.int64)
    A = np.zeros((_NP, _NP), dtype=np.float64)
    A[edges[:, 0], edges[:, 1]] = 1.0
    A = np.maximum(A, A.T)
    A = A + np.eye(_NP)
    A = A / A.sum(axis=1, keepdims=True)
    d = A.sum(axis=-1)
    D = np.diag(d ** -0.5)
    L = np.eye(_NP) - D @ A @ D
    return L.astype(np.float32)


_L = _graph_constants()


def _tc_body(x_hbm, w_ref, b_ref, o_hbm, xs, os_, in_sems, out_sems):
    i = pl.program_id(0)
    nb = pl.num_programs(0)
    slot = jax.lax.rem(i, _NBUF)

    half = _BT // _NSPLIT

    def in_copies(block, s):
        return [pltpu.make_async_copy(
            x_hbm.at[pl.ds(block * _BT + k * half, half)],
            xs.at[s, pl.ds(k * half, half)], in_sems.at[s])
            for k in range(_NSPLIT)]

    def out_copies(block, s):
        return [pltpu.make_async_copy(
            os_.at[s], o_hbm.at[pl.ds(block * _BT, _BT)],
            out_sems.at[s])]

    def start_in(block, s):
        for c in in_copies(block, s):
            c.start()

    def wait_in(s):
        for c in in_copies(0, s):
            c.wait()

    def start_out(block, s):
        for c in out_copies(block, s):
            c.start()

    def wait_out(s):
        for c in out_copies(0, s):
            c.wait()

    @pl.when(i == 0)
    def _():
        for k in range(_NBUF - 1):
            start_in(k, k)

    @pl.when(i + _NBUF - 1 < nb)
    def _():
        start_in(i + _NBUF - 1, jax.lax.rem(i + _NBUF - 1, _NBUF))

    wait_in(slot)
    xb = xs[slot]
    xt = jnp.swapaxes(xb, 0, 1)

    pf = []
    for joints in _PART_JOINTS:
        acc = xt[joints[0]]
        for j in joints[1:]:
            acc = acc + xt[j]
        pf.append(acc * np.float32(1.0 / len(joints)))

    def lmix(rows):
        out = []
        for p in range(_NP):
            acc = None
            for q in range(_NP):
                c = float(_L[p, q])
                if c == 0.0:
                    continue
                term = rows[q] * np.float32(c)
                acc = term if acc is None else acc + term
            out.append(acc)
        return out

    y1 = lmix(pf)
    ly1 = lmix(y1)
    y2 = [np.float32(2.0) * ly1[p] - pf[p] for p in range(_NP)]

    bias = b_ref[...]
    w = w_ref[...]

    h = []
    for p in range(_NP):
        z = jnp.concatenate([pf[p], y1[p], y2[p]], axis=-1)
        hp = jax.lax.dot_general(
            z, w, (((1,), (0,)), ((), ())),
            preferred_element_type=jnp.float32)
        h.append(hp + bias)

    @pl.when(i >= _NBUF)
    def _():
        wait_out(slot)

    os_[slot] = jnp.stack(h, axis=1)
    start_out(i, slot)

    @pl.when(i == nb - 1)
    def _():
        for k in range(1, _NBUF):
            wait_out(jax.lax.rem(i + k, _NBUF))
        wait_out(slot)


def _tc_cheb_pool(x, wstack, bias2):
    B = x.shape[0]
    nb = B // _BT
    return pl.pallas_call(
        _tc_body,
        grid=(nb,),
        in_specs=[
            pl.BlockSpec(memory_space=pltpu.MemorySpace.HBM),
            pl.BlockSpec((_K * _C, _C), lambda i: (0, 0)),
            pl.BlockSpec((1, _C), lambda i: (0, 0)),
        ],
        out_specs=pl.BlockSpec(memory_space=pltpu.MemorySpace.HBM),
        out_shape=jax.ShapeDtypeStruct((B, _NP, _C), x.dtype),
        scratch_shapes=[
            pltpu.VMEM((_NBUF, _BT, _J, _C), jnp.float32),
            pltpu.VMEM((_NBUF, _BT, _NP, _C), jnp.float32),
            pltpu.SemaphoreType.DMA((_NBUF,)),
            pltpu.SemaphoreType.DMA((_NBUF,)),
        ],
        compiler_params=pltpu.CompilerParams(
            dimension_semantics=("arbitrary",)),
    )(x, wstack, bias2)


def _sc_scatter(po):
    B = po.shape[0]
    info = plsc.get_sparse_core_info()
    nw = info.num_cores * info.num_subcores
    rows = B // nw
    mesh = plsc.VectorSubcoreMesh(core_axis_name="c", subcore_axis_name="s")

    @pl.kernel(
        mesh=mesh,
        out_type=jax.ShapeDtypeStruct((B, _J, _C), po.dtype),
        scratch_types=[pltpu.SemaphoreType.DMA],
    )
    def sck(po_hbm, o_hbm, sem):
        wid = lax.axis_index("s") * info.num_cores + lax.axis_index("c")
        base = wid * rows
        copies = [pltpu.make_async_copy(
            po_hbm.at[pl.ds(base, rows), pl.ds(_JOINT_TO_PART[j], 1)],
            o_hbm.at[pl.ds(base, rows), pl.ds(j, 1)], sem)
            for j in range(_J)]
        for c in copies:
            c.start()
        for c in copies:
            c.wait()

    return sck(po)


def kernel(x, cheb_weight, cheb_bias):
    wstack = cheb_weight.reshape(_K * _C, _C)
    bias2 = cheb_bias.reshape(1, _C)
    po = _tc_cheb_pool(x, wstack, bias2)
    return _sc_scatter(po)

# --- scband reference (transcript-rebuilt; emitter-appended) ---
"""Pipeline reference for scband-part-based-graph-conv-17454747090956 (READ-ONLY COPY).

The authoritative reference and input builder live on the scoring server;
editing this copy changes nothing except your own understanding.
"""

import jax, jax.numpy as jnp
import numpy as np

BODY_PARTS = [("right_leg", [1, 2, 3]), ("left_leg", [4, 5, 6]), ("torso", [0, 7, 8, 9, 10]), ("right_arm", [11, 12, 13]), ("left_arm", [14, 15, 16])]
JOINT_TO_PART = np.array([2, 0, 0, 0, 1, 1, 1, 2, 2, 2, 2, 3, 3, 3, 4, 4, 4], dtype=np.int32)


def build_part_adj():
    # adj_mx_from_edges(num_pts=5, edges=[[0,2],[1,2],[2,3],[2,4]], sparse=False)
    edges = np.array([[0, 2], [1, 2], [2, 3], [2, 4]], dtype=np.int64)
    A = np.zeros((5, 5), dtype=np.float32)
    A[edges[:, 0], edges[:, 1]] = 1.0
    # symmetrize: adj + adj.T*(adj.T>adj) - adj*(adj.T>adj) == elementwise max for 0/1 matrices
    A = np.maximum(A, A.T)
    # add self loops then row-normalize
    A = A + np.eye(5, dtype=np.float32)
    rowsum = A.sum(axis=1, keepdims=True)
    A = A / rowsum
    return jnp.asarray(A)


def setup_inputs(seed: int = 0) -> dict:
    key = jax.random.key(seed)
    k1, k2 = jax.random.split(key, 2)
    B, J, C = 16384, 17, 128
    x = jax.random.normal(k1, (B, J, C), dtype=jnp.float32)
    # ChebConv(in_c=C, out_c=C, K=2) -> K+1 = 3 Chebyshev orders
    # weight: [K+1, 1, in_c, out_c] (xavier-normal style init), bias: [1, 1, out_c] (zeros)
    std = float(np.sqrt(2.0 / (C + C)))
    cheb_weight = jax.random.normal(k2, (3, 1, C, C), dtype=jnp.float32) * std
    cheb_bias = jnp.zeros((1, 1, C), dtype=jnp.float32)
    return {"x": x, "cheb_weight": cheb_weight, "cheb_bias": cheb_bias}


def _cheb_conv(inputs, graph, weight, bias):
    # normalized Laplacian: L = I - D^{-1/2} A D^{-1/2}
    N = graph.shape[0]
    d = jnp.sum(graph, axis=-1)
    D = jnp.diag(d ** (-0.5))
    L = jnp.eye(N, dtype=graph.dtype) - D @ graph @ D
    # Chebyshev polynomials T0=I, T1=L, T2=2*L@T1 - T0  (self.K = K+1 = 3)
    T0 = jnp.eye(N, dtype=graph.dtype)
    T1 = L
    T2 = 2.0 * (L @ T1) - T0
    mul_L = jnp.stack([T0, T1, T2], axis=0)[:, None, :, :]  # [3,1,N,N]
    result = jnp.matmul(mul_L, inputs)   # [3,B,N,in_c]
    result = jnp.matmul(result, weight)  # [3,B,N,out_c]
    return jnp.sum(result, axis=0) + bias


def reference(x, cheb_weight, cheb_bias):
    part_adj = build_part_adj()
    parts = []
    for _, joint_indices in BODY_PARTS:
        joints_feats = x[:, jnp.asarray(np.array(joint_indices, dtype=np.int32)), :]  # [B, n_j, C]
        pooled_feat = jnp.mean(joints_feats, axis=1)  # AdaptiveAvgPool1d(1) over joints
        parts.append(pooled_feat)
    part_features = jnp.stack(parts, axis=1)  # [B, 5, C]
    part_out = _cheb_conv(part_features, part_adj, cheb_weight, cheb_bias)  # [B, 5, C]
    # scatter part features back to their joints (every joint belongs to exactly one part)
    output = part_out[:, jnp.asarray(JOINT_TO_PART), :]  # [B, 17, C]
    return output

if __name__ == "__main__":
    import jax
    _d = setup_inputs()
    print(jax.jit(kernel)(*tuple(_d.values())))

</pallas_src>

<mosaic_0001>
#map = affine_map<(d0, d1) -> (0, 0, 0)>
module attributes {stable_mosaic.version = 14 : i64} {
  func.func @sck(%arg0: i32, %arg1: i32, %arg2: memref<16384x5x128xf32, #tpu.memory_space<hbm>>, %arg3: memref<16384x17x128xf32, #tpu.memory_space<hbm>>, %arg4: memref<!tpu.dma_semaphore, #tpu.memory_space<semaphore_mem>>) attributes {dimension_semantics = [#tpu.dimension_semantics<core_parallel>, #tpu.dimension_semantics<subcore_parallel>], iteration_bounds = array<i64: 2, 16>, scalar_prefetch = 0 : i64, scratch_operands = 1 : i64, tpu.core_type = #tpu.core_type<sc_vector_subcore>, window_params = [{transform_indices = #map}, {transform_indices = #map}]} {
    %mul3A = arith.constant 2 : i32
    %mul3A_0 = arith.muli %arg1, %mul3A : i32
    %add3A = arith.addi %mul3A_0, %arg0 : i32
    %mul3A_1 = arith.constant 512 : i32
    %mul3A_2 = arith.muli %add3A, %mul3A_1 : i32
    %dma_start3A = arith.constant 0 : i32
    %dma_start3A_3 = arith.constant 0 : i32
    %dma_start3A_4 = tpu.memref_slice %arg3[%mul3A_2, %dma_start3A, %dma_start3A_3] : memref<16384x17x128xf32, #tpu.memory_space<hbm>> -> memref<512x1x128xf32, #tpu.memory_space<hbm>>
    %dma_start3A_5 = arith.constant 2 : i32
    %dma_start3A_6 = arith.constant 0 : i32
    %dma_start3A_7 = tpu.memref_slice %arg2[%mul3A_2, %dma_start3A_5, %dma_start3A_6] : memref<16384x5x128xf32, #tpu.memory_space<hbm>> -> memref<512x1x128xf32, #tpu.memory_space<hbm>>
    tpu.enqueue_dma source(%dma_start3A_7 : memref<512x1x128xf32, #tpu.memory_space<hbm>>) target(%dma_start3A_4 : memref<512x1x128xf32, #tpu.memory_space<hbm>>) target_semaphore(%arg4 : memref<!tpu.dma_semaphore, #tpu.memory_space<semaphore_mem>>)
    %dma_start3A_8 = arith.constant 1 : i32
    %dma_start3A_9 = arith.constant 0 : i32
    %dma_start3A_10 = tpu.memref_slice %arg3[%mul3A_2, %dma_start3A_8, %dma_start3A_9] : memref<16384x17x128xf32, #tpu.memory_space<hbm>> -> memref<512x1x128xf32, #tpu.memory_space<hbm>>
    %dma_start3A_11 = arith.constant 0 : i32
    %dma_start3A_12 = arith.constant 0 : i32
    %dma_start3A_13 = tpu.memref_slice %arg2[%mul3A_2, %dma_start3A_11, %dma_start3A_12] : memref<16384x5x128xf32, #tpu.memory_space<hbm>> -> memref<512x1x128xf32, #tpu.memory_space<hbm>>
    tpu.enqueue_dma source(%dma_start3A_13 : memref<512x1x128xf32, #tpu.memory_space<hbm>>) target(%dma_start3A_10 : memref<512x1x128xf32, #tpu.memory_space<hbm>>) target_semaphore(%arg4 : memref<!tpu.dma_semaphore, #tpu.memory_space<semaphore_mem>>)
    %dma_start3A_14 = arith.constant 2 : i32
    %dma_start3A_15 = arith.constant 0 : i32
    %dma_start3A_16 = tpu.memref_slice %arg3[%mul3A_2, %dma_start3A_14, %dma_start3A_15] : memref<16384x17x128xf32, #tpu.memory_space<hbm>> -> memref<512x1x128xf32, #tpu.memory_space<hbm>>
    %dma_start3A_17 = arith.constant 0 : i32
    %dma_start3A_18 = arith.constant 0 : i32
    %dma_start3A_19 = tpu.memref_slice %arg2[%mul3A_2, %dma_start3A_17, %dma_start3A_18] : memref<16384x5x128xf32, #tpu.memory_space<hbm>> -> memref<512x1x128xf32, #tpu.memory_space<hbm>>
    tpu.enqueue_dma source(%dma_start3A_19 : memref<512x1x128xf32, #tpu.memory_space<hbm>>) target(%dma_start3A_16 : memref<512x1x128xf32, #tpu.memory_space<hbm>>) target_semaphore(%arg4 : memref<!tpu.dma_semaphore, #tpu.memory_space<semaphore_mem>>)
    %dma_start3A_20 = arith.constant 3 : i32
    %dma_start3A_21 = arith.constant 0 : i32
    %dma_start3A_22 = tpu.memref_slice %arg3[%mul3A_2, %dma_start3A_20, %dma_start3A_21] : memref<16384x17x128xf32, #tpu.memory_space<hbm>> -> memref<512x1x128xf32, #tpu.memory_space<hbm>>
    %dma_start3A_23 = arith.constant 0 : i32
    %dma_start3A_24 = arith.constant 0 : i32
    %dma_start3A_25 = tpu.memref_slice %arg2[%mul3A_2, %dma_start3A_23, %dma_start3A_24] : memref<16384x5x128xf32, #tpu.memory_space<hbm>> -> memref<512x1x128xf32, #tpu.memory_space<hbm>>
    tpu.enqueue_dma source(%dma_start3A_25 : memref<512x1x128xf32, #tpu.memory_space<hbm>>) target(%dma_start3A_22 : memref<512x1x128xf32, #tpu.memory_space<hbm>>) target_semaphore(%arg4 : memref<!tpu.dma_semaphore, #tpu.memory_space<semaphore_mem>>)
    %dma_start3A_26 = arith.constant 4 : i32
    %dma_start3A_27 = arith.constant 0 : i32
    %dma_start3A_28 = tpu.memref_slice %arg3[%mul3A_2, %dma_start3A_26, %dma_start3A_27] : memref<16384x17x128xf32, #tpu.memory_space<hbm>> -> memref<512x1x128xf32, #tpu.memory_space<hbm>>
    %dma_start3A_29 = arith.constant 1 : i32
    %dma_start3A_30 = arith.constant 0 : i32
    %dma_start3A_31 = tpu.memref_slice %arg2[%mul3A_2, %dma_start3A_29, %dma_start3A_30] : memref<16384x5x128xf32, #tpu.memory_space<hbm>> -> memref<512x1x128xf32, #tpu.memory_space<hbm>>
    tpu.enqueue_dma source(%dma_start3A_31 : memref<512x1x128xf32, #tpu.memory_space<hbm>>) target(%dma_start3A_28 : memref<512x1x128xf32, #tpu.memory_space<hbm>>) target_semaphore(%arg4 : memref<!tpu.dma_semaphore, #tpu.memory_space<semaphore_mem>>)
    %dma_start3A_32 = arith.constant 5 : i32
    %dma_start3A_33 = arith.constant 0 : i32
    %dma_start3A_34 = tpu.memref_slice %arg3[%mul3A_2, %dma_start3A_32, %dma_start3A_33] : memref<16384x17x128xf32, #tpu.memory_space<hbm>> -> memref<512x1x128xf32, #tpu.memory_space<hbm>>
    %dma_start3A_35 = arith.constant 1 : i32
    %dma_start3A_36 = arith.constant 0 : i32
    %dma_start3A_37 = tpu.memref_slice %arg2[%mul3A_2, %dma_start3A_35, %dma_start3A_36] : memref<16384x5x128xf32, #tpu.memory_space<hbm>> -> memref<512x1x128xf32, #tpu.memory_space<hbm>>
    tpu.enqueue_dma source(%dma_start3A_37 : memref<512x1x128xf32, #tpu.memory_space<hbm>>) target(%dma_start3A_34 : memref<512x1x128xf32, #tpu.memory_space<hbm>>) target_semaphore(%arg4 : memref<!tpu.dma_semaphore, #tpu.memory_space<semaphore_mem>>)
    %dma_start3A_38 = arith.constant 6 : i32
    %dma_start3A_39 = arith.constant 0 : i32
    %dma_start3A_40 = tpu.memref_slice %arg3[%mul3A_2, %dma_start3A_38, %dma_start3A_39] : memref<16384x17x128xf32, #tpu.memory_space<hbm>> -> memref<512x1x128xf32, #tpu.memory_space<hbm>>
    %dma_start3A_41 = arith.constant 1 : i32
    %dma_start3A_42 = arith.constant 0 : i32
    %dma_start3A_43 = tpu.memref_slice %arg2[%mul3A_2, %dma_start3A_41, %dma_start3A_42] : memref<16384x5x128xf32, #tpu.memory_space<hbm>> -> memref<512x1x128xf32, #tpu.memory_space<hbm>>
    tpu.enqueue_dma source(%dma_start3A_43 : memref<512x1x128xf32, #tpu.memory_space<hbm>>) target(%dma_start3A_40 : memref<512x1x128xf32, #tpu.memory_space<hbm>>) target_semaphore(%arg4 : memref<!tpu.dma_semaphore, #tpu.memory_space<semaphore_mem>>)
    %dma_start3A_44 = arith.constant 7 : i32
    %dma_start3A_45 = arith.constant 0 : i32
    %dma_start3A_46 = tpu.memref_slice %arg3[%mul3A_2, %dma_start3A_44, %dma_start3A_45] : memref<16384x17x128xf32, #tpu.memory_space<hbm>> -> memref<512x1x128xf32, #tpu.memory_space<hbm>>
    %dma_start3A_47 = arith.constant 2 : i32
    %dma_start3A_48 = arith.constant 0 : i32
    %dma_start3A_49 = tpu.memref_slice %arg2[%mul3A_2, %dma_start3A_47, %dma_start3A_48] : memref<16384x5x128xf32, #tpu.memory_space<hbm>> -> memref<512x1x128xf32, #tpu.memory_space<hbm>>
    tpu.enqueue_dma source(%dma_start3A_49 : memref<512x1x128xf32, #tpu.memory_space<hbm>>) target(%dma_start3A_46 : memref<512x1x128xf32, #tpu.memory_space<hbm>>) target_semaphore(%arg4 : memref<!tpu.dma_semaphore, #tpu.memory_space<semaphore_mem>>)
    %dma_start3A_50 = arith.constant 8 : i32
    %dma_start3A_51 = arith.constant 0 : i32
    %dma_start3A_52 = tpu.memref_slice %arg3[%mul3A_2, %dma_start3A_50, %dma_start3A_51] : memref<16384x17x128xf32, #tpu.memory_space<hbm>> -> memref<512x1x128xf32, #tpu.memory_space<hbm>>
    %dma_start3A_53 = arith.constant 2 : i32
    %dma_start3A_54 = arith.constant 0 : i32
    %dma_start3A_55 = tpu.memref_slice %arg2[%mul3A_2, %dma_start3A_53, %dma_start3A_54] : memref<16384x5x128xf32, #tpu.memory_space<hbm>> -> memref<512x1x128xf32, #tpu.memory_space<hbm>>
    tpu.enqueue_dma source(%dma_start3A_55 : memref<512x1x128xf32, #tpu.memory_space<hbm>>) target(%dma_start3A_52 : memref<512x1x128xf32, #tpu.memory_space<hbm>>) target_semaphore(%arg4 : memref<!tpu.dma_semaphore, #tpu.memory_space<semaphore_mem>>)
    %dma_start3A_56 = arith.constant 9 : i32
    %dma_start3A_57 = arith.constant 0 : i32
    %dma_start3A_58 = tpu.memref_slice %arg3[%mul3A_2, %dma_start3A_56, %dma_start3A_57] : memref<16384x17x128xf32, #tpu.memory_space<hbm>> -> memref<512x1x128xf32, #tpu.memory_space<hbm>>
    %dma_start3A_59 = arith.constant 2 : i32
    %dma_start3A_60 = arith.constant 0 : i32
    %dma_start3A_61 = tpu.memref_slice %arg2[%mul3A_2, %dma_start3A_59, %dma_start3A_60] : memref<16384x5x128xf32, #tpu.memory_space<hbm>> -> memref<512x1x128xf32, #tpu.memory_space<hbm>>
    tpu.enqueue_dma source(%dma_start3A_61 : memref<512x1x128xf32, #tpu.memory_space<hbm>>) target(%dma_start3A_58 : memref<512x1x128xf32, #tpu.memory_space<hbm>>) target_semaphore(%arg4 : memref<!tpu.dma_semaphore, #tpu.memory_space<semaphore_mem>>)
    %dma_start3A_62 = arith.constant 10 : i32
    %dma_start3A_63 = arith.constant 0 : i32
    %dma_start3A_64 = tpu.memref_slice %arg3[%mul3A_2, %dma_start3A_62, %dma_start3A_63] : memref<16384x17x128xf32, #tpu.memory_space<hbm>> -> memref<512x1x128xf32, #tpu.memory_space<hbm>>
    %dma_start3A_65 = arith.constant 2 : i32
    %dma_start3A_66 = arith.constant 0 : i32
    %dma_start3A_67 = tpu.memref_slice %arg2[%mul3A_2, %dma_start3A_65, %dma_start3A_66] : memref<16384x5x128xf32, #tpu.memory_space<hbm>> -> memref<512x1x128xf32, #tpu.memory_space<hbm>>
    tpu.enqueue_dma source(%dma_start3A_67 : memref<512x1x128xf32, #tpu.memory_space<hbm>>) target(%dma_start3A_64 : memref<512x1x128xf32, #tpu.memory_space<hbm>>) target_semaphore(%arg4 : memref<!tpu.dma_semaphore, #tpu.memory_space<semaphore_mem>>)
    %dma_start3A_68 = arith.constant 11 : i32
    %dma_start3A_69 = arith.constant 0 : i32
    %dma_start3A_70 = tpu.memref_slice %arg3[%mul3A_2, %dma_start3A_68, %dma_start3A_69] : memref<16384x17x128xf32, #tpu.memory_space<hbm>> -> memref<512x1x128xf32, #tpu.memory_space<hbm>>
    %dma_start3A_71 = arith.constant 3 : i32
    %dma_start3A_72 = arith.constant 0 : i32
    %dma_start3A_73 = tpu.memref_slice %arg2[%mul3A_2, %dma_start3A_71, %dma_start3A_72] : memref<16384x5x128xf32, #tpu.memory_space<hbm>> -> memref<512x1x128xf32, #tpu.memory_space<hbm>>
    tpu.enqueue_dma source(%dma_start3A_73 : memref<512x1x128xf32, #tpu.memory_space<hbm>>) target(%dma_start3A_70 : memref<512x1x128xf32, #tpu.memory_space<hbm>>) target_semaphore(%arg4 : memref<!tpu.dma_semaphore, #tpu.memory_space<semaphore_mem>>)
    %dma_start3A_74 = arith.constant 12 : i32
    %dma_start3A_75 = arith.constant 0 : i32
    %dma_start3A_76 = tpu.memref_slice %arg3[%mul3A_2, %dma_start3A_74, %dma_start3A_75] : memref<16384x17x128xf32, #tpu.memory_space<hbm>> -> memref<512x1x128xf32, #tpu.memory_space<hbm>>
    %dma_start3A_77 = arith.constant 3 : i32
    %dma_start3A_78 = arith.constant 0 : i32
    %dma_start3A_79 = tpu.memref_slice %arg2[%mul3A_2, %dma_start3A_77, %dma_start3A_78] : memref<16384x5x128xf32, #tpu.memory_space<hbm>> -> memref<512x1x128xf32, #tpu.memory_space<hbm>>
    tpu.enqueue_dma source(%dma_start3A_79 : memref<512x1x128xf32, #tpu.memory_space<hbm>>) target(%dma_start3A_76 : memref<512x1x128xf32, #tpu.memory_space<hbm>>) target_semaphore(%arg4 : memref<!tpu.dma_semaphore, #tpu.memory_space<semaphore_mem>>)
    %dma_start3A_80 = arith.constant 13 : i32
    %dma_start3A_81 = arith.constant 0 : i32
    %dma_start3A_82 = tpu.memref_slice %arg3[%mul3A_2, %dma_start3A_80, %dma_start3A_81] : memref<16384x17x128xf32, #tpu.memory_space<hbm>> -> memref<512x1x128xf32, #tpu.memory_space<hbm>>
    %dma_start3A_83 = arith.constant 3 : i32
    %dma_start3A_84 = arith.constant 0 : i32
    %dma_start3A_85 = tpu.memref_slice %arg2[%mul3A_2, %dma_start3A_83, %dma_start3A_84] : memref<16384x5x128xf32, #tpu.memory_space<hbm>> -> memref<512x1x128xf32, #tpu.memory_space<hbm>>
    tpu.enqueue_dma source(%dma_start3A_85 : memref<512x1x128xf32, #tpu.memory_space<hbm>>) target(%dma_start3A_82 : memref<512x1x128xf32, #tpu.memory_space<hbm>>) target_semaphore(%arg4 : memref<!tpu.dma_semaphore, #tpu.memory_space<semaphore_mem>>)
    %dma_start3A_86 = arith.constant 14 : i32
    %dma_start3A_87 = arith.constant 0 : i32
    %dma_start3A_88 = tpu.memref_slice %arg3[%mul3A_2, %dma_start3A_86, %dma_start3A_87] : memref<16384x17x128xf32, #tpu.memory_space<hbm>> -> memref<512x1x128xf32, #tpu.memory_space<hbm>>
    %dma_start3A_89 = arith.constant 4 : i32
    %dma_start3A_90 = arith.constant 0 : i32
    %dma_start3A_91 = tpu.memref_slice %arg2[%mul3A_2, %dma_start3A_89, %dma_start3A_90] : memref<16384x5x128xf32, #tpu.memory_space<hbm>> -> memref<512x1x128xf32, #tpu.memory_space<hbm>>
    tpu.enqueue_dma source(%dma_start3A_91 : memref<512x1x128xf32, #tpu.memory_space<hbm>>) target(%dma_start3A_88 : memref<512x1x128xf32, #tpu.memory_space<hbm>>) target_semaphore(%arg4 : memref<!tpu.dma_semaphore, #tpu.memory_space<semaphore_mem>>)
    %dma_start3A_92 = arith.constant 15 : i32
    %dma_start3A_93 = arith.constant 0 : i32
    %dma_start3A_94 = tpu.memref_slice %arg3[%mul3A_2, %dma_start3A_92, %dma_start3A_93] : memref<16384x17x128xf32, #tpu.memory_space<hbm>> -> memref<512x1x128xf32, #tpu.memory_space<hbm>>
    %dma_start3A_95 = arith.constant 4 : i32
    %dma_start3A_96 = arith.constant 0 : i32
    %dma_start3A_97 = tpu.memref_slice %arg2[%mul3A_2, %dma_start3A_95, %dma_start3A_96] : memref<16384x5x128xf32, #tpu.memory_space<hbm>> -> memref<512x1x128xf32, #tpu.memory_space<hbm>>
    tpu.enqueue_dma source(%dma_start3A_97 : memref<512x1x128xf32, #tpu.memory_space<hbm>>) target(%dma_start3A_94 : memref<512x1x128xf32, #tpu.memory_space<hbm>>) target_semaphore(%arg4 : memref<!tpu.dma_semaphore, #tpu.memory_space<semaphore_mem>>)
    %dma_start3A_98 = arith.constant 16 : i32
    %dma_start3A_99 = arith.constant 0 : i32
    %dma_start3A_100 = tpu.memref_slice %arg3[%mul3A_2, %dma_start3A_98, %dma_start3A_99] : memref<16384x17x128xf32, #tpu.memory_space<hbm>> -> memref<512x1x128xf32, #tpu.memory_space<hbm>>
    %dma_start3A_101 = arith.constant 4 : i32
    %dma_start3A_102 = arith.constant 0 : i32
    %dma_start3A_103 = tpu.memref_slice %arg2[%mul3A_2, %dma_start3A_101, %dma_start3A_102] : memref<16384x5x128xf32, #tpu.memory_space<hbm>> -> memref<512x1x128xf32, #tpu.memory_space<hbm>>
    tpu.enqueue_dma source(%dma_start3A_103 : memref<512x1x128xf32, #tpu.memory_space<hbm>>) target(%dma_start3A_100 : memref<512x1x128xf32, #tpu.memory_space<hbm>>) target_semaphore(%arg4 : memref<!tpu.dma_semaphore, #tpu.memory_space<semaphore_mem>>)
    %dma_wait3A = arith.constant 0 : i32
    %dma_wait3A_104 = arith.constant 0 : i32
    %dma_wait3A_105 = tpu.memref_slice %arg3[%mul3A_2, %dma_wait3A, %dma_wait3A_104] : memref<16384x17x128xf32, #tpu.memory_space<hbm>> -> memref<512x1x128xf32, #tpu.memory_space<hbm>>
    %dma_wait3A_106 = arith.constant 2 : i32
    %dma_wait3A_107 = arith.constant 0 : i32
    %dma_wait3A_108 = tpu.memref_slice %arg2[%mul3A_2, %dma_wait3A_106, %dma_wait3A_107] : memref<16384x5x128xf32, #tpu.memory_space<hbm>> -> memref<512x1x128xf32, #tpu.memory_space<hbm>>
    tpu.wait_dma2 semaphore(%arg4 : memref<!tpu.dma_semaphore, #tpu.memory_space<semaphore_mem>>) src(%dma_wait3A_108 : memref<512x1x128xf32, #tpu.memory_space<hbm>>) dst(%dma_wait3A_105 : memref<512x1x128xf32, #tpu.memory_space<hbm>>)
    %dma_wait3A_109 = arith.constant 1 : i32
    %dma_wait3A_110 = arith.constant 0 : i32
    %dma_wait3A_111 = tpu.memref_slice %arg3[%mul3A_2, %dma_wait3A_109, %dma_wait3A_110] : memref<16384x17x128xf32, #tpu.memory_space<hbm>> -> memref<512x1x128xf32, #tpu.memory_space<hbm>>
    %dma_wait3A_112 = arith.constant 0 : i32
    %dma_wait3A_113 = arith.constant 0 : i32
    %dma_wait3A_114 = tpu.memref_slice %arg2[%mul3A_2, %dma_wait3A_112, %dma_wait3A_113] : memref<16384x5x128xf32, #tpu.memory_space<hbm>> -> memref<512x1x128xf32, #tpu.memory_space<hbm>>
    tpu.wait_dma2 semaphore(%arg4 : memref<!tpu.dma_semaphore, #tpu.memory_space<semaphore_mem>>) src(%dma_wait3A_114 : memref<512x1x128xf32, #tpu.memory_space<hbm>>) dst(%dma_wait3A_111 : memref<512x1x128xf32, #tpu.memory_space<hbm>>)
    %dma_wait3A_115 = arith.constant 2 : i32
    %dma_wait3A_116 = arith.constant 0 : i32
    %dma_wait3A_117 = tpu.memref_slice %arg3[%mul3A_2, %dma_wait3A_115, %dma_wait3A_116] : memref<16384x17x128xf32, #tpu.memory_space<hbm>> -> memref<512x1x128xf32, #tpu.memory_space<hbm>>
    %dma_wait3A_118 = arith.constant 0 : i32
    %dma_wait3A_119 = arith.constant 0 : i32
    %dma_wait3A_120 = tpu.memref_slice %arg2[%mul3A_2, %dma_wait3A_118, %dma_wait3A_119] : memref<16384x5x128xf32, #tpu.memory_space<hbm>> -> memref<512x1x128xf32, #tpu.memory_space<hbm>>
    tpu.wait_dma2 semaphore(%arg4 : memref<!tpu.dma_semaphore, #tpu.memory_space<semaphore_mem>>) src(%dma_wait3A_120 : memref<512x1x128xf32, #tpu.memory_space<hbm>>) dst(%dma_wait3A_117 : memref<512x1x128xf32, #tpu.memory_space<hbm>>)
    %dma_wait3A_121 = arith.constant 3 : i32
    %dma_wait3A_122 = arith.constant 0 : i32
    %dma_wait3A_123 = tpu.memref_slice %arg3[%mul3A_2, %dma_wait3A_121, %dma_wait3A_122] : memref<16384x17x128xf32, #tpu.memory_space<hbm>> -> memref<512x1x128xf32, #tpu.memory_space<hbm>>
    %dma_wait3A_124 = arith.constant 0 : i32
    %dma_wait3A_125 = arith.constant 0 : i32
    %dma_wait3A_126 = tpu.memref_slice %arg2[%mul3A_2, %dma_wait3A_124, %dma_wait3A_125] : memref<16384x5x128xf32, #tpu.memory_space<hbm>> -> memref<512x1x128xf32, #tpu.memory_space<hbm>>
    tpu.wait_dma2 semaphore(%arg4 : memref<!tpu.dma_semaphore, #tpu.memory_space<semaphore_mem>>) src(%dma_wait3A_126 : memref<512x1x128xf32, #tpu.memory_space<hbm>>) dst(%dma_wait3A_123 : memref<512x1x128xf32, #tpu.memory_space<hbm>>)
    %dma_wait3A_127 = arith.constant 4 : i32
    %dma_wait3A_128 = arith.constant 0 : i32
    %dma_wait3A_129 = tpu.memref_slice %arg3[%mul3A_2, %dma_wait3A_127, %dma_wait3A_128] : memref<16384x17x128xf32, #tpu.memory_space<hbm>> -> memref<512x1x128xf32, #tpu.memory_space<hbm>>
    %dma_wait3A_130 = arith.constant 1 : i32
    %dma_wait3A_131 = arith.constant 0 : i32
    %dma_wait3A_132 = tpu.memref_slice %arg2[%mul3A_2, %dma_wait3A_130, %dma_wait3A_131] : memref<16384x5x128xf32, #tpu.memory_space<hbm>> -> memref<512x1x128xf32, #tpu.memory_space<hbm>>
    tpu.wait_dma2 semaphore(%arg4 : memref<!tpu.dma_semaphore, #tpu.memory_space<semaphore_mem>>) src(%dma_wait3A_132 : memref<512x1x128xf32, #tpu.memory_space<hbm>>) dst(%dma_wait3A_129 : memref<512x1x128xf32, #tpu.memory_space<hbm>>)
    %dma_wait3A_133 = arith.constant 5 : i32
    %dma_wait3A_134 = arith.constant 0 : i32
    %dma_wait3A_135 = tpu.memref_slice %arg3[%mul3A_2, %dma_wait3A_133, %dma_wait3A_134] : memref<16384x17x128xf32, #tpu.memory_space<hbm>> -> memref<512x1x128xf32, #tpu.memory_space<hbm>>
    %dma_wait3A_136 = arith.constant 1 : i32
    %dma_wait3A_137 = arith.constant 0 : i32
    %dma_wait3A_138 = tpu.memref_slice %arg2[%mul3A_2, %dma_wait3A_136, %dma_wait3A_137] : memref<16384x5x128xf32, #tpu.memory_space<hbm>> -> memref<512x1x128xf32, #tpu.memory_space<hbm>>
    tpu.wait_dma2 semaphore(%arg4 : memref<!tpu.dma_semaphore, #tpu.memory_space<semaphore_mem>>) src(%dma_wait3A_138 : memref<512x1x128xf32, #tpu.memory_space<hbm>>) dst(%dma_wait3A_135 : memref<512x1x128xf32, #tpu.memory_space<hbm>>)
    %dma_wait3A_139 = arith.constant 6 : i32
    %dma_wait3A_140 = arith.constant 0 : i32
    %dma_wait3A_141 = tpu.memref_slice %arg3[%mul3A_2, %dma_wait3A_139, %dma_wait3A_140] : memref<16384x17x128xf32, #tpu.memory_space<hbm>> -> memref<512x1x128xf32, #tpu.memory_space<hbm>>
    %dma_wait3A_142 = arith.constant 1 : i32
    %dma_wait3A_143 = arith.constant 0 : i32
    %dma_wait3A_144 = tpu.memref_slice %arg2[%mul3A_2, %dma_wait3A_142, %dma_wait3A_143] : memref<16384x5x128xf32, #tpu.memory_space<hbm>> -> memref<512x1x128xf32, #tpu.memory_space<hbm>>
    tpu.wait_dma2 semaphore(%arg4 : memref<!tpu.dma_semaphore, #tpu.memory_space<semaphore_mem>>) src(%dma_wait3A_144 : memref<512x1x128xf32, #tpu.memory_space<hbm>>) dst(%dma_wait3A_141 : memref<512x1x128xf32, #tpu.memory_space<hbm>>)
    %dma_wait3A_145 = arith.constant 7 : i32
    %dma_wait3A_146 = arith.constant 0 : i32
    %dma_wait3A_147 = tpu.memref_slice %arg3[%mul3A_2, %dma_wait3A_145, %dma_wait3A_146] : memref<16384x17x128xf32, #tpu.memory_space<hbm>> -> memref<512x1x128xf32, #tpu.memory_space<hbm>>
    %dma_wait3A_148 = arith.constant 2 : i32
    %dma_wait3A_149 = arith.constant 0 : i32
    %dma_wait3A_150 = tpu.memref_slice %arg2[%mul3A_2, %dma_wait3A_148, %dma_wait3A_149] : memref<16384x5x128xf32, #tpu.memory_space<hbm>> -> memref<512x1x128xf32, #tpu.memory_space<hbm>>
    tpu.wait_dma2 semaphore(%arg4 : memref<!tpu.dma_semaphore, #tpu.memory_space<semaphore_mem>>) src(%dma_wait3A_150 : memref<512x1x128xf32, #tpu.memory_space<hbm>>) dst(%dma_wait3A_147 : memref<512x1x128xf32, #tpu.memory_space<hbm>>)
    %dma_wait3A_151 = arith.constant 8 : i32
    %dma_wait3A_152 = arith.constant 0 : i32
    %dma_wait3A_153 = tpu.memref_slice %arg3[%mul3A_2, %dma_wait3A_151, %dma_wait3A_152] : memref<16384x17x128xf32, #tpu.memory_space<hbm>> -> memref<512x1x128xf32, #tpu.memory_space<hbm>>
    %dma_wait3A_154 = arith.constant 2 : i32
    %dma_wait3A_155 = arith.constant 0 : i32
    %dma_wait3A_156 = tpu.memref_slice %arg2[%mul3A_2, %dma_wait3A_154, %dma_wait3A_155] : memref<16384x5x128xf32, #tpu.memory_space<hbm>> -> memref<512x1x128xf32, #tpu.memory_space<hbm>>
    tpu.wait_dma2 semaphore(%arg4 : memref<!tpu.dma_semaphore, #tpu.memory_space<semaphore_mem>>) src(%dma_wait3A_156 : memref<512x1x128xf32, #tpu.memory_space<hbm>>) dst(%dma_wait3A_153 : memref<512x1x128xf32, #tpu.memory_space<hbm>>)
    %dma_wait3A_157 = arith.constant 9 : i32
    %dma_wait3A_158 = arith.constant 0 : i32
    %dma_wait3A_159 = tpu.memref_slice %arg3[%mul3A_2, %dma_wait3A_157, %dma_wait3A_158] : memref<16384x17x128xf32, #tpu.memory_space<hbm>> -> memref<512x1x128xf32, #tpu.memory_space<hbm>>
    %dma_wait3A_160 = arith.constant 2 : i32
    %dma_wait3A_161 = arith.constant 0 : i32
    %dma_wait3A_162 = tpu.memref_slice %arg2[%mul3A_2, %dma_wait3A_160, %dma_wait3A_161] : memref<16384x5x128xf32, #tpu.memory_space<hbm>> -> memref<512x1x128xf32, #tpu.memory_space<hbm>>
    tpu.wait_dma2 semaphore(%arg4 : memref<!tpu.dma_semaphore, #tpu.memory_space<semaphore_mem>>) src(%dma_wait3A_162 : memref<512x1x128xf32, #tpu.memory_space<hbm>>) dst(%dma_wait3A_159 : memref<512x1x128xf32, #tpu.memory_space<hbm>>)
    %dma_wait3A_163 = arith.constant 10 : i32
    %dma_wait3A_164 = arith.constant 0 : i32
    %dma_wait3A_165 = tpu.memref_slice %arg3[%mul3A_2, %dma_wait3A_163, %dma_wait3A_164] : memref<16384x17x128xf32, #tpu.memory_space<hbm>> -> memref<512x1x128xf32, #tpu.memory_space<hbm>>
    %dma_wait3A_166 = arith.constant 2 : i32
    %dma_wait3A_167 = arith.constant 0 : i32
    %dma_wait3A_168 = tpu.memref_slice %arg2[%mul3A_2, %dma_wait3A_166, %dma_wait3A_167] : memref<16384x5x128xf32, #tpu.memory_space<hbm>> -> memref<512x1x128xf32, #tpu.memory_space<hbm>>
    tpu.wait_dma2 semaphore(%arg4 : memref<!tpu.dma_semaphore, #tpu.memory_space<semaphore_mem>>) src(%dma_wait3A_168 : memref<512x1x128xf32, #tpu.memory_space<hbm>>) dst(%dma_wait3A_165 : memref<512x1x128xf32, #tpu.memory_space<hbm>>)
    %dma_wait3A_169 = arith.constant 11 : i32
    %dma_wait3A_170 = arith.constant 0 : i32
    %dma_wait3A_171 = tpu.memref_slice %arg3[%mul3A_2, %dma_wait3A_169, %dma_wait3A_170] : memref<16384x17x128xf32, #tpu.memory_space<hbm>> -> memref<512x1x128xf32, #tpu.memory_space<hbm>>
    %dma_wait3A_172 = arith.constant 3 : i32
    %dma_wait3A_173 = arith.constant 0 : i32
    %dma_wait3A_174 = tpu.memref_slice %arg2[%mul3A_2, %dma_wait3A_172, %dma_wait3A_173] : memref<16384x5x128xf32, #tpu.memory_space<hbm>> -> memref<512x1x128xf32, #tpu.memory_space<hbm>>
    tpu.wait_dma2 semaphore(%arg4 : memref<!tpu.dma_semaphore, #tpu.memory_space<semaphore_mem>>) src(%dma_wait3A_174 : memref<512x1x128xf32, #tpu.memory_space<hbm>>) dst(%dma_wait3A_171 : memref<512x1x128xf32, #tpu.memory_space<hbm>>)
    %dma_wait3A_175 = arith.constant 12 : i32
    %dma_wait3A_176 = arith.constant 0 : i32
    %dma_wait3A_177 = tpu.memref_slice %arg3[%mul3A_2, %dma_wait3A_175, %dma_wait3A_176] : memref<16384x17x128xf32, #tpu.memory_space<hbm>> -> memref<512x1x128xf32, #tpu.memory_space<hbm>>
    %dma_wait3A_178 = arith.constant 3 : i32
    %dma_wait3A_179 = arith.constant 0 : i32
    %dma_wait3A_180 = tpu.memref_slice %arg2[%mul3A_2, %dma_wait3A_178, %dma_wait3A_179] : memref<16384x5x128xf32, #tpu.memory_space<hbm>> -> memref<512x1x128xf32, #tpu.memory_space<hbm>>
    tpu.wait_dma2 semaphore(%arg4 : memref<!tpu.dma_semaphore, #tpu.memory_space<semaphore_mem>>) src(%dma_wait3A_180 : memref<512x1x128xf32, #tpu.memory_space<hbm>>) dst(%dma_wait3A_177 : memref<512x1x128xf32, #tpu.memory_space<hbm>>)
    %dma_wait3A_181 = arith.constant 13 : i32
    %dma_wait3A_182 = arith.constant 0 : i32
    %dma_wait3A_183 = tpu.memref_slice %arg3[%mul3A_2, %dma_wait3A_181, %dma_wait3A_182] : memref<16384x17x128xf32, #tpu.memory_space<hbm>> -> memref<512x1x128xf32, #tpu.memory_space<hbm>>
    %dma_wait3A_184 = arith.constant 3 : i32
    %dma_wait3A_185 = arith.constant 0 : i32
    %dma_wait3A_186 = tpu.memref_slice %arg2[%mul3A_2, %dma_wait3A_184, %dma_wait3A_185] : memref<16384x5x128xf32, #tpu.memory_space<hbm>> -> memref<512x1x128xf32, #tpu.memory_space<hbm>>
    tpu.wait_dma2 semaphore(%arg4 : memref<!tpu.dma_semaphore, #tpu.memory_space<semaphore_mem>>) src(%dma_wait3A_186 : memref<512x1x128xf32, #tpu.memory_space<hbm>>) dst(%dma_wait3A_183 : memref<512x1x128xf32, #tpu.memory_space<hbm>>)
    %dma_wait3A_187 = arith.constant 14 : i32
    %dma_wait3A_188 = arith.constant 0 : i32
    %dma_wait3A_189 = tpu.memref_slice %arg3[%mul3A_2, %dma_wait3A_187, %dma_wait3A_188] : memref<16384x17x128xf32, #tpu.memory_space<hbm>> -> memref<512x1x128xf32, #tpu.memory_space<hbm>>
    %dma_wait3A_190 = arith.constant 4 : i32
    %dma_wait3A_191 = arith.constant 0 : i32
    %dma_wait3A_192 = tpu.memref_slice %arg2[%mul3A_2, %dma_wait3A_190, %dma_wait3A_191] : memref<16384x5x128xf32, #tpu.memory_space<hbm>> -> memref<512x1x128xf32, #tpu.memory_space<hbm>>
    tpu.wait_dma2 semaphore(%arg4 : memref<!tpu.dma_semaphore, #tpu.memory_space<semaphore_mem>>) src(%dma_wait3A_192 : memref<512x1x128xf32, #tpu.memory_space<hbm>>) dst(%dma_wait3A_189 : memref<512x1x128xf32, #tpu.memory_space<hbm>>)
    %dma_wait3A_193 = arith.constant 15 : i32
    %dma_wait3A_194 = arith.constant 0 : i32
    %dma_wait3A_195 = tpu.memref_slice %arg3[%mul3A_2, %dma_wait3A_193, %dma_wait3A_194] : memref<16384x17x128xf32, #tpu.memory_space<hbm>> -> memref<512x1x128xf32, #tpu.memory_space<hbm>>
    %dma_wait3A_196 = arith.constant 4 : i32
    %dma_wait3A_197 = arith.constant 0 : i32
    %dma_wait3A_198 = tpu.memref_slice %arg2[%mul3A_2, %dma_wait3A_196, %dma_wait3A_197] : memref<16384x5x128xf32, #tpu.memory_space<hbm>> -> memref<512x1x128xf32, #tpu.memory_space<hbm>>
    tpu.wait_dma2 semaphore(%arg4 : memref<!tpu.dma_semaphore, #tpu.memory_space<semaphore_mem>>) src(%dma_wait3A_198 : memref<512x1x128xf32, #tpu.memory_space<hbm>>) dst(%dma_wait3A_195 : memref<512x1x128xf32, #tpu.memory_space<hbm>>)
    %dma_wait3A_199 = arith.constant 16 : i32
    %dma_wait3A_200 = arith.constant 0 : i32
    %dma_wait3A_201 = tpu.memref_slice %arg3[%mul3A_2, %dma_wait3A_199, %dma_wait3A_200] : memref<16384x17x128xf32, #tpu.memory_space<hbm>> -> memref<512x1x128xf32, #tpu.memory_space<hbm>>
    %dma_wait3A_202 = arith.constant 4 : i32
    %dma_wait3A_203 = arith.constant 0 : i32
    %dma_wait3A_204 = tpu.memref_slice %arg2[%mul3A_2, %dma_wait3A_202, %dma_wait3A_203] : memref<16384x5x128xf32, #tpu.memory_space<hbm>> -> memref<512x1x128xf32, #tpu.memory_space<hbm>>
    tpu.wait_dma2 semaphore(%arg4 : memref<!tpu.dma_semaphore, #tpu.memory_space<semaphore_mem>>) src(%dma_wait3A_204 : memref<512x1x128xf32, #tpu.memory_space<hbm>>) dst(%dma_wait3A_201 : memref<512x1x128xf32, #tpu.memory_space<hbm>>)
    return
  }
}

module attributes {stable_mosaic.version = 14 : i64} {
  func.func @_tc_body(%arg0: i32, %arg1: memref<16384x17x128xf32, #tpu.memory_space<hbm>>, %arg2: memref<384x128xf32, #tpu.memory_space<vmem>>, %arg3: memref<1x128xf32, #tpu.memory_space<vmem>>, %arg4: memref<16384x5x128xf32, #tpu.memory_space<hbm>>, %arg5: memref<6x256x17x128xf32, #tpu.memory_space<vmem>>, %arg6: memref<6x256x5x128xf32, #tpu.memory_space<vmem>>, %arg7: memref<6x!tpu.dma_semaphore, #tpu.memory_space<semaphore_mem>>, %arg8: memref<6x!tpu.dma_semaphore, #tpu.memory_space<semaphore_mem>>) attributes {dimension_semantics = [#tpu.dimension_semantics<arbitrary>], iteration_bounds = array<i64: 64>, scalar_prefetch = 0 : i64, scratch_operands = 4 : i64, tpu.core_type = #tpu.core_type<tc>, window_params = [{}, {pipeline_mode = #tpu.pipeline_mode<synchronous>, transform_indices = @transform_1, window_bounds = array<i64: 384, 128>}, {pipeline_mode = #tpu.pipeline_mode<synchronous>, transform_indices = @transform_2, window_bounds = array<i64: 1, 128>}, {}]} {
    %rem3A = arith.constant 6 : i32
    %rem3A_0 = arith.remsi %arg0, %rem3A : i32
    %eq3A = arith.constant 0 : i32
    %eq3A_1 = arith.cmpi eq, %arg0, %eq3A : i32
    %convert_element_type3A = arith.extui %eq3A_1 : i1 to i32
    %cond3A = arith.constant 0 : i32
    %cond3A_2 = arith.cmpi ne, %convert_element_type3A, %cond3A : i32
    scf.if %cond3A_2 {
      %dma_start3A_267 = arith.constant 0 : i32
      %dma_start3A_268 = arith.constant 0 : i32
      %dma_start3A_269 = tpu.memref_slice %arg7[%dma_start3A_268] : memref<6x!tpu.dma_semaphore, #tpu.memory_space<semaphore_mem>> -> memref<1x!tpu.dma_semaphore, #tpu.memory_space<semaphore_mem>>
      %dma_start3A_270 = tpu.memref_squeeze %dma_start3A_269 : memref<1x!tpu.dma_semaphore, #tpu.memory_space<semaphore_mem>> -> memref<!tpu.dma_semaphore, #tpu.memory_space<semaphore_mem>>
      %dma_start3A_271 = arith.constant 0 : i32
      %dma_start3A_272 = arith.constant 0 : i32
      %dma_start3A_273 = arith.constant 0 : i32
      %dma_start3A_274 = tpu.memref_slice %arg5[%dma_start3A_267, %dma_start3A_271, %dma_start3A_272, %dma_start3A_273] : memref<6x256x17x128xf32, #tpu.memory_space<vmem>> -> memref<1x128x17x128xf32, #tpu.memory_space<vmem>>
      %dma_start3A_275 = tpu.memref_squeeze %dma_start3A_274 : memref<1x128x17x128xf32, #tpu.memory_space<vmem>> -> memref<128x17x128xf32, #tpu.memory_space<vmem>>
      %dma_start3A_276 = arith.constant 0 : i32
      %dma_start3A_277 = arith.constant 0 : i32
      %dma_start3A_278 = arith.constant 0 : i32
      %dma_start3A_279 = tpu.memref_slice %arg1[%dma_start3A_276, %dma_start3A_277, %dma_start3A_278] : memref<16384x17x128xf32, #tpu.memory_space<hbm>> -> memref<128x17x128xf32, #tpu.memory_space<hbm>>
      tpu.enqueue_dma source(%dma_start3A_279 : memref<128x17x128xf32, #tpu.memory_space<hbm>>) target(%dma_start3A_275 : memref<128x17x128xf32, #tpu.memory_space<vmem>>) target_semaphore(%dma_start3A_270 : memref<!tpu.dma_semaphore, #tpu.memory_space<semaphore_mem>>)
      %dma_start3A_280 = arith.constant 0 : i32
      %dma_start3A_281 = arith.constant 0 : i32
      %dma_start3A_282 = tpu.memref_slice %arg7[%dma_start3A_281] : memref<6x!tpu.dma_semaphore, #tpu.memory_space<semaphore_mem>> -> memref<1x!tpu.dma_semaphore, #tpu.memory_space<semaphore_mem>>
      %dma_start3A_283 = tpu.memref_squeeze %dma_start3A_282 : memref<1x!tpu.dma_semaphore, #tpu.memory_space<semaphore_mem>> -> memref<!tpu.dma_semaphore, #tpu.memory_space<semaphore_mem>>
      %dma_start3A_284 = arith.constant 128 : i32
      %dma_start3A_285 = arith.constant 0 : i32
      %dma_start3A_286 = arith.constant 0 : i32
      %dma_start3A_287 = tpu.memref_slice %arg5[%dma_start3A_280, %dma_start3A_284, %dma_start3A_285, %dma_start3A_286] : memref<6x256x17x128xf32, #tpu.memory_space<vmem>> -> memref<1x128x17x128xf32, #tpu.memory_space<vmem>>
      %dma_start3A_288 = tpu.memref_squeeze %dma_start3A_287 : memref<1x128x17x128xf32, #tpu.memory_space<vmem>> -> memref<128x17x128xf32, #tpu.memory_space<vmem>>
      %dma_start3A_289 = arith.constant 128 : i32
      %dma_start3A_290 = arith.constant 0 : i32
      %dma_start3A_291 = arith.constant 0 : i32
      %dma_start3A_292 = tpu.memref_slice %arg1[%dma_start3A_289, %dma_start3A_290, %dma_start3A_291] : memref<16384x17x128xf32, #tpu.memory_space<hbm>> -> memref<128x17x128xf32, #tpu.memory_space<hbm>>
      tpu.enqueue_dma source(%dma_start3A_292 : memref<128x17x128xf32, #tpu.memory_space<hbm>>) target(%dma_start3A_288 : memref<128x17x128xf32, #tpu.memory_space<vmem>>) target_semaphore(%dma_start3A_283 : memref<!tpu.dma_semaphore, #tpu.memory_space<semaphore_mem>>)
      %dma_start3A_293 = arith.constant 1 : i32
      %dma_start3A_294 = arith.constant 1 : i32
      %dma_start3A_295 = tpu.memref_slice %arg7[%dma_start3A_294] : memref<6x!tpu.dma_semaphore, #tpu.memory_space<semaphore_mem>> -> memref<1x!tpu.dma_semaphore, #tpu.memory_space<semaphore_mem>>
      %dma_start3A_296 = tpu.memref_squeeze %dma_start3A_295 : memref<1x!tpu.dma_semaphore, #tpu.memory_space<semaphore_mem>> -> memref<!tpu.dma_semaphore, #tpu.memory_space<semaphore_mem>>
      %dma_start3A_297 = arith.constant 0 : i32
      %dma_start3A_298 = arith.constant 0 : i32
      %dma_start3A_299 = arith.constant 0 : i32
      %dma_start3A_300 = tpu.memref_slice %arg5[%dma_start3A_293, %dma_start3A_297, %dma_start3A_298, %dma_start3A_299] : memref<6x256x17x128xf32, #tpu.memory_space<vmem>> -> memref<1x128x17x128xf32, #tpu.memory_space<vmem>>
      %dma_start3A_301 = tpu.memref_squeeze %dma_start3A_300 : memref<1x128x17x128xf32, #tpu.memory_space<vmem>> -> memref<128x17x128xf32, #tpu.memory_space<vmem>>
      %dma_start3A_302 = arith.constant 256 : i32
      %dma_start3A_303 = arith.constant 0 : i32
      %dma_start3A_304 = arith.constant 0 : i32
      %dma_start3A_305 = tpu.memref_slice %arg1[%dma_start3A_302, %dma_start3A_303, %dma_start3A_304] : memref<16384x17x128xf32, #tpu.memory_space<hbm>> -> memref<128x17x128xf32, #tpu.memory_space<hbm>>
      tpu.enqueue_dma source(%dma_start3A_305 : memref<128x17x128xf32, #tpu.memory_space<hbm>>) target(%dma_start3A_301 : memref<128x17x128xf32, #tpu.memory_space<vmem>>) target_semaphore(%dma_start3A_296 : memref<!tpu.dma_semaphore, #tpu.memory_space<semaphore_mem>>)
      %dma_start3A_306 = arith.constant 1 : i32
      %dma_start3A_307 = arith.constant 1 : i32
      %dma_start3A_308 = tpu.memref_slice %arg7[%dma_start3A_307] : memref<6x!tpu.dma_semaphore, #tpu.memory_space<semaphore_mem>> -> memref<1x!tpu.dma_semaphore, #tpu.memory_space<semaphore_mem>>
      %dma_start3A_309 = tpu.memref_squeeze %dma_start3A_308 : memref<1x!tpu.dma_semaphore, #tpu.memory_space<semaphore_mem>> -> memref<!tpu.dma_semaphore, #tpu.memory_space<semaphore_mem>>
      %dma_start3A_310 = arith.constant 128 : i32
      %dma_start3A_311 = arith.constant 0 : i32
      %dma_start3A_312 = arith.constant 0 : i32
      %dma_start3A_313 = tpu.memref_slice %arg5[%dma_start3A_306, %dma_start3A_310, %dma_start3A_311, %dma_start3A_312] : memref<6x256x17x128xf32, #tpu.memory_space<vmem>> -> memref<1x128x17x128xf32, #tpu.memory_space<vmem>>
      %dma_start3A_314 = tpu.memref_squeeze %dma_start3A_313 : memref<1x128x17x128xf32, #tpu.memory_space<vmem>> -> memref<128x17x128xf32, #tpu.memory_space<vmem>>
      %dma_start3A_315 = arith.constant 384 : i32
      %dma_start3A_316 = arith.constant 0 : i32
      %dma_start3A_317 = arith.constant 0 : i32
      %dma_start3A_318 = tpu.memref_slice %arg1[%dma_start3A_315, %dma_start3A_316, %dma_start3A_317] : memref<16384x17x128xf32, #tpu.memory_space<hbm>> -> memref<128x17x128xf32, #tpu.memory_space<hbm>>
      tpu.enqueue_dma source(%dma_start3A_318 : memref<128x17x128xf32, #tpu.memory_space<hbm>>) target(%dma_start3A_314 : memref<128x17x128xf32, #tpu.memory_space<vmem>>) target_semaphore(%dma_start3A_309 : memref<!tpu.dma_semaphore, #tpu.memory_space<semaphore_mem>>)
      %dma_start3A_319 = arith.constant 2 : i32
      %dma_start3A_320 = arith.constant 2 : i32
      %dma_start3A_321 = tpu.memref_slice %arg7[%dma_start3A_320] : memref<6x!tpu.dma_semaphore, #tpu.memory_space<semaphore_mem>> -> memref<1x!tpu.dma_semaphore, #tpu.memory_space<semaphore_mem>>
      %dma_start3A_322 = tpu.memref_squeeze %dma_start3A_321 : memref<1x!tpu.dma_semaphore, #tpu.memory_space<semaphore_mem>> -> memref<!tpu.dma_semaphore, #tpu.memory_space<semaphore_mem>>
      %dma_start3A_323 = arith.constant 0 : i32
      %dma_start3A_324 = arith.constant 0 : i32
      %dma_start3A_325 = arith.constant 0 : i32
      %dma_start3A_326 = tpu.memref_slice %arg5[%dma_start3A_319, %dma_start3A_323, %dma_start3A_324, %dma_start3A_325] : memref<6x256x17x128xf32, #tpu.memory_space<vmem>> -> memref<1x128x17x128xf32, #tpu.memory_space<vmem>>
      %dma_start3A_327 = tpu.memref_squeeze %dma_start3A_326 : memref<1x128x17x128xf32, #tpu.memory_space<vmem>> -> memref<128x17x128xf32, #tpu.memory_space<vmem>>
      %dma_start3A_328 = arith.constant 512 : i32
      %dma_start3A_329 = arith.constant 0 : i32
      %dma_start3A_330 = arith.constant 0 : i32
      %dma_start3A_331 = tpu.memref_slice %arg1[%dma_start3A_328, %dma_start3A_329, %dma_start3A_330] : memref<16384x17x128xf32, #tpu.memory_space<hbm>> -> memref<128x17x128xf32, #tpu.memory_space<hbm>>
      tpu.enqueue_dma source(%dma_start3A_331 : memref<128x17x128xf32, #tpu.memory_space<hbm>>) target(%dma_start3A_327 : memref<128x17x128xf32, #tpu.memory_space<vmem>>) target_semaphore(%dma_start3A_322 : memref<!tpu.dma_semaphore, #tpu.memory_space<semaphore_mem>>)
      %dma_start3A_332 = arith.constant 2 : i32
      %dma_start3A_333 = arith.constant 2 : i32
      %dma_start3A_334 = tpu.memref_slice %arg7[%dma_start3A_333] : memref<6x!tpu.dma_semaphore, #tpu.memory_space<semaphore_mem>> -> memref<1x!tpu.dma_semaphore, #tpu.memory_space<semaphore_mem>>
      %dma_start3A_335 = tpu.memref_squeeze %dma_start3A_334 : memref<1x!tpu.dma_semaphore, #tpu.memory_space<semaphore_mem>> -> memref<!tpu.dma_semaphore, #tpu.memory_space<semaphore_mem>>
      %dma_start3A_336 = arith.constant 128 : i32
      %dma_start3A_337 = arith.constant 0 : i32
      %dma_start3A_338 = arith.constant 0 : i32
      %dma_start3A_339 = tpu.memref_slice %arg5[%dma_start3A_332, %dma_start3A_336, %dma_start3A_337, %dma_start3A_338] : memref<6x256x17x128xf32, #tpu.memory_space<vmem>> -> memref<1x128x17x128xf32, #tpu.memory_space<vmem>>
      %dma_start3A_340 = tpu.memref_squeeze %dma_start3A_339 : memref<1x128x17x128xf32, #tpu.memory_space<vmem>> -> memref<128x17x128xf32, #tpu.memory_space<vmem>>
      %dma_start3A_341 = arith.constant 640 : i32
      %dma_start3A_342 = arith.constant 0 : i32
      %dma_start3A_343 = arith.constant 0 : i32
      %dma_start3A_344 = tpu.memref_slice %arg1[%dma_start3A_341, %dma_start3A_342, %dma_start3A_343] : memref<16384x17x128xf32, #tpu.memory_space<hbm>> -> memref<128x17x128xf32, #tpu.memory_space<hbm>>
      tpu.enqueue_dma source(%dma_start3A_344 : memref<128x17x128xf32, #tpu.memory_space<hbm>>) target(%dma_start3A_340 : memref<128x17x128xf32, #tpu.memory_space<vmem>>) target_semaphore(%dma_start3A_335 : memref<!tpu.dma_semaphore, #tpu.memory_space<semaphore_mem>>)
      %dma_start3A_345 = arith.constant 3 : i32
      %dma_start3A_346 = arith.constant 3 : i32
      %dma_start3A_347 = tpu.memref_slice %arg7[%dma_start3A_346] : memref<6x!tpu.dma_semaphore, #tpu.memory_space<semaphore_mem>> -> memref<1x!tpu.dma_semaphore, #tpu.memory_space<semaphore_mem>>
      %dma_start3A_348 = tpu.memref_squeeze %dma_start3A_347 : memref<1x!tpu.dma_semaphore, #tpu.memory_space<semaphore_mem>> -> memref<!tpu.dma_semaphore, #tpu.memory_space<semaphore_mem>>
      %dma_start3A_349 = arith.constant 0 : i32
      %dma_start3A_350 = arith.constant 0 : i32
      %dma_start3A_351 = arith.constant 0 : i32
      %dma_start3A_352 = tpu.memref_slice %arg5[%dma_start3A_345, %dma_start3A_349, %dma_start3A_350, %dma_start3A_351] : memref<6x256x17x128xf32, #tpu.memory_space<vmem>> -> memref<1x128x17x128xf32, #tpu.memory_space<vmem>>
      %dma_start3A_353 = tpu.memref_squeeze %dma_start3A_352 : memref<1x128x17x128xf32, #tpu.memory_space<vmem>> -> memref<128x17x128xf32, #tpu.memory_space<vmem>>
      %dma_start3A_354 = arith.constant 768 : i32
      %dma_start3A_355 = arith.constant 0 : i32
      %dma_start3A_356 = arith.constant 0 : i32
      %dma_start3A_357 = tpu.memref_slice %arg1[%dma_start3A_354, %dma_start3A_355, %dma_start3A_356] : memref<16384x17x128xf32, #tpu.memory_space<hbm>> -> memref<128x17x128xf32, #tpu.memory_space<hbm>>
      tpu.enqueue_dma source(%dma_start3A_357 : memref<128x17x128xf32, #tpu.memory_space<hbm>>) target(%dma_start3A_353 : memref<128x17x128xf32, #tpu.memory_space<vmem>>) target_semaphore(%dma_start3A_348 : memref<!tpu.dma_semaphore, #tpu.memory_space<semaphore_mem>>)
      %dma_start3A_358 = arith.constant 3 : i32
      %dma_start3A_359 = arith.constant 3 : i32
      %dma_start3A_360 = tpu.memref_slice %arg7[%dma_start3A_359] : memref<6x!tpu.dma_semaphore, #tpu.memory_space<semaphore_mem>> -> memref<1x!tpu.dma_semaphore, #tpu.memory_space<semaphore_mem>>
      %dma_start3A_361 = tpu.memref_squeeze %dma_start3A_360 : memref<1x!tpu.dma_semaphore, #tpu.memory_space<semaphore_mem>> -> memref<!tpu.dma_semaphore, #tpu.memory_space<semaphore_mem>>
      %dma_start3A_362 = arith.constant 128 : i32
      %dma_start3A_363 = arith.constant 0 : i32
      %dma_start3A_364 = arith.constant 0 : i32
      %dma_start3A_365 = tpu.memref_slice %arg5[%dma_start3A_358, %dma_start3A_362, %dma_start3A_363, %dma_start3A_364] : memref<6x256x17x128xf32, #tpu.memory_space<vmem>> -> memref<1x128x17x128xf32, #tpu.memory_space<vmem>>
      %dma_start3A_366 = tpu.memref_squeeze %dma_start3A_365 : memref<1x128x17x128xf32, #tpu.memory_space<vmem>> -> memref<128x17x128xf32, #tpu.memory_space<vmem>>
      %dma_start3A_367 = arith.constant 896 : i32
      %dma_start3A_368 = arith.constant 0 : i32
      %dma_start3A_369 = arith.constant 0 : i32
      %dma_start3A_370 = tpu.memref_slice %arg1[%dma_start3A_367, %dma_start3A_368, %dma_start3A_369] : memref<16384x17x128xf32, #tpu.memory_space<hbm>> -> memref<128x17x128xf32, #tpu.memory_space<hbm>>
      tpu.enqueue_dma source(%dma_start3A_370 : memref<128x17x128xf32, #tpu.memory_space<hbm>>) target(%dma_start3A_366 : memref<128x17x128xf32, #tpu.memory_space<vmem>>) target_semaphore(%dma_start3A_361 : memref<!tpu.dma_semaphore, #tpu.memory_space<semaphore_mem>>)
      %dma_start3A_371 = arith.constant 4 : i32
      %dma_start3A_372 = arith.constant 4 : i32
      %dma_start3A_373 = tpu.memref_slice %arg7[%dma_start3A_372] : memref<6x!tpu.dma_semaphore, #tpu.memory_space<semaphore_mem>> -> memref<1x!tpu.dma_semaphore, #tpu.memory_space<semaphore_mem>>
      %dma_start3A_374 = tpu.memref_squeeze %dma_start3A_373 : memref<1x!tpu.dma_semaphore, #tpu.memory_space<semaphore_mem>> -> memref<!tpu.dma_semaphore, #tpu.memory_space<semaphore_mem>>
      %dma_start3A_375 = arith.constant 0 : i32
      %dma_start3A_376 = arith.constant 0 : i32
      %dma_start3A_377 = arith.constant 0 : i32
      %dma_start3A_378 = tpu.memref_slice %arg5[%dma_start3A_371, %dma_start3A_375, %dma_start3A_376, %dma_start3A_377] : memref<6x256x17x128xf32, #tpu.memory_space<vmem>> -> memref<1x128x17x128xf32, #tpu.memory_space<vmem>>
      %dma_start3A_379 = tpu.memref_squeeze %dma_start3A_378 : memref<1x128x17x128xf32, #tpu.memory_space<vmem>> -> memref<128x17x128xf32, #tpu.memory_space<vmem>>
      %dma_start3A_380 = arith.constant 1024 : i32
      %dma_start3A_381 = arith.constant 0 : i32
      %dma_start3A_382 = arith.constant 0 : i32
      %dma_start3A_383 = tpu.memref_slice %arg1[%dma_start3A_380, %dma_start3A_381, %dma_start3A_382] : memref<16384x17x128xf32, #tpu.memory_space<hbm>> -> memref<128x17x128xf32, #tpu.memory_space<hbm>>
      tpu.enqueue_dma source(%dma_start3A_383 : memref<128x17x128xf32, #tpu.memory_space<hbm>>) target(%dma_start3A_379 : memref<128x17x128xf32, #tpu.memory_space<vmem>>) target_semaphore(%dma_start3A_374 : memref<!tpu.dma_semaphore, #tpu.memory_space<semaphore_mem>>)
      %dma_start3A_384 = arith.constant 4 : i32
      %dma_start3A_385 = arith.constant 4 : i32
      %dma_start3A_386 = tpu.memref_slice %arg7[%dma_start3A_385] : memref<6x!tpu.dma_semaphore, #tpu.memory_space<semaphore_mem>> -> memref<1x!tpu.dma_semaphore, #tpu.memory_space<semaphore_mem>>
      %dma_start3A_387 = tpu.memref_squeeze %dma_start3A_386 : memref<1x!tpu.dma_semaphore, #tpu.memory_space<semaphore_mem>> -> memref<!tpu.dma_semaphore, #tpu.memory_space<semaphore_mem>>
      %dma_start3A_388 = arith.constant 128 : i32
      %dma_start3A_389 = arith.constant 0 : i32
      %dma_start3A_390 = arith.constant 0 : i32
      %dma_start3A_391 = tpu.memref_slice %arg5[%dma_start3A_384, %dma_start3A_388, %dma_start3A_389, %dma_start3A_390] : memref<6x256x17x128xf32, #tpu.memory_space<vmem>> -> memref<1x128x17x128xf32, #tpu.memory_space<vmem>>
      %dma_start3A_392 = tpu.memref_squeeze %dma_start3A_391 : memref<1x128x17x128xf32, #tpu.memory_space<vmem>> -> memref<128x17x128xf32, #tpu.memory_space<vmem>>
      %dma_start3A_393 = arith.constant 1152 : i32
      %dma_start3A_394 = arith.constant 0 : i32
      %dma_start3A_395 = arith.constant 0 : i32
      %dma_start3A_396 = tpu.memref_slice %arg1[%dma_start3A_393, %dma_start3A_394, %dma_start3A_395] : memref<16384x17x128xf32, #tpu.memory_space<hbm>> -> memref<128x17x128xf32, #tpu.memory_space<hbm>>
      tpu.enqueue_dma source(%dma_start3A_396 : memref<128x17x128xf32, #tpu.memory_space<hbm>>) target(%dma_start3A_392 : memref<128x17x128xf32, #tpu.memory_space<vmem>>) target_semaphore(%dma_start3A_387 : memref<!tpu.dma_semaphore, #tpu.memory_space<semaphore_mem>>)
    } else {
    }
    %add3A = arith.constant 6 : i32
    %add3A_3 = arith.addi %arg0, %add3A : i32
    %sub3A = arith.constant 1 : i32
    %sub3A_4 = arith.subi %add3A_3, %sub3A : i32
    %lt3A = arith.constant 64 : i32
    %lt3A_5 = arith.cmpi slt, %sub3A_4, %lt3A : i32
    %convert_element_type3A_6 = arith.extui %lt3A_5 : i1 to i32
    %cond3A_7 = arith.constant 0 : i32
    %cond3A_8 = arith.cmpi ne, %convert_element_type3A_6, %cond3A_7 : i32
    scf.if %cond3A_8 {
      %add3A_267 = arith.constant 6 : i32
      %add3A_268 = arith.addi %arg0, %add3A_267 : i32
      %sub3A_269 = arith.constant 1 : i32
      %sub3A_270 = arith.subi %add3A_268, %sub3A_269 : i32
      %add3A_271 = arith.constant 6 : i32
      %add3A_272 = arith.addi %arg0, %add3A_271 : i32
      %sub3A_273 = arith.constant 1 : i32
      %sub3A_274 = arith.subi %add3A_272, %sub3A_273 : i32
      %rem3A_275 = arith.constant 6 : i32
      %rem3A_276 = arith.remsi %sub3A_274, %rem3A_275 : i32
      %mul3A_277 = arith.constant 256 : i32
      %mul3A_278 = arith.muli %sub3A_270, %mul3A_277 : i32
      %add3A_279 = arith.constant 0 : i32
      %add3A_280 = arith.addi %mul3A_278, %add3A_279 : i32
      %mul3A_281 = arith.constant 256 : i32
      %mul3A_282 = arith.muli %sub3A_270, %mul3A_281 : i32
      %add3A_283 = arith.constant 128 : i32
      %add3A_284 = arith.addi %mul3A_282, %add3A_283 : i32
      %dma_start3A_285 = tpu.memref_slice %arg7[%rem3A_276] : memref<6x!tpu.dma_semaphore, #tpu.memory_space<semaphore_mem>> -> memref<1x!tpu.dma_semaphore, #tpu.memory_space<semaphore_mem>>
      %dma_start3A_286 = tpu.memref_squeeze %dma_start3A_285 : memref<1x!tpu.dma_semaphore, #tpu.memory_space<semaphore_mem>> -> memref<!tpu.dma_semaphore, #tpu.memory_space<semaphore_mem>>
      %dma_start3A_287 = arith.constant 0 : i32
      %dma_start3A_288 = arith.constant 0 : i32
      %dma_start3A_289 = arith.constant 0 : i32
      %dma_start3A_290 = tpu.memref_slice %arg5[%rem3A_276, %dma_start3A_287, %dma_start3A_288, %dma_start3A_289] : memref<6x256x17x128xf32, #tpu.memory_space<vmem>> -> memref<1x128x17x128xf32, #tpu.memory_space<vmem>>
      %dma_start3A_291 = tpu.memref_squeeze %dma_start3A_290 : memref<1x128x17x128xf32, #tpu.memory_space<vmem>> -> memref<128x17x128xf32, #tpu.memory_space<vmem>>
      %dma_start3A_292 = arith.constant 0 : i32
      %dma_start3A_293 = arith.constant 0 : i32
      %dma_start3A_294 = tpu.memref_slice %arg1[%add3A_280, %dma_start3A_292, %dma_start3A_293] : memref<16384x17x128xf32, #tpu.memory_space<hbm>> -> memref<128x17x128xf32, #tpu.memory_space<hbm>>
      tpu.enqueue_dma source(%dma_start3A_294 : memref<128x17x128xf32, #tpu.memory_space<hbm>>) target(%dma_start3A_291 : memref<128x17x128xf32, #tpu.memory_space<vmem>>) target_semaphore(%dma_start3A_286 : memref<!tpu.dma_semaphore, #tpu.memory_space<semaphore_mem>>)
      %dma_start3A_295 = tpu.memref_slice %arg7[%rem3A_276] : memref<6x!tpu.dma_semaphore, #tpu.memory_space<semaphore_mem>> -> memref<1x!tpu.dma_semaphore, #tpu.memory_space<semaphore_mem>>
      %dma_start3A_296 = tpu.memref_squeeze %dma_start3A_295 : memref<1x!tpu.dma_semaphore, #tpu.memory_space<semaphore_mem>> -> memref<!tpu.dma_semaphore, #tpu.memory_space<semaphore_mem>>
      %dma_start3A_297 = arith.constant 128 : i32
      %dma_start3A_298 = arith.constant 0 : i32
      %dma_start3A_299 = arith.constant 0 : i32
      %dma_start3A_300 = tpu.memref_slice %arg5[%rem3A_276, %dma_start3A_297, %dma_start3A_298, %dma_start3A_299] : memref<6x256x17x128xf32, #tpu.memory_space<vmem>> -> memref<1x128x17x128xf32, #tpu.memory_space<vmem>>
      %dma_start3A_301 = tpu.memref_squeeze %dma_start3A_300 : memref<1x128x17x128xf32, #tpu.memory_space<vmem>> -> memref<128x17x128xf32, #tpu.memory_space<vmem>>
      %dma_start3A_302 = arith.constant 0 : i32
      %dma_start3A_303 = arith.constant 0 : i32
      %dma_start3A_304 = tpu.memref_slice %arg1[%add3A_284, %dma_start3A_302, %dma_start3A_303] : memref<16384x17x128xf32, #tpu.memory_space<hbm>> -> memref<128x17x128xf32, #tpu.memory_space<hbm>>
      tpu.enqueue_dma source(%dma_start3A_304 : memref<128x17x128xf32, #tpu.memory_space<hbm>>) target(%dma_start3A_301 : memref<128x17x128xf32, #tpu.memory_space<vmem>>) target_semaphore(%dma_start3A_296 : memref<!tpu.dma_semaphore, #tpu.memory_space<semaphore_mem>>)
    } else {
    }
    %dma_wait3A = tpu.memref_slice %arg7[%rem3A_0] : memref<6x!tpu.dma_semaphore, #tpu.memory_space<semaphore_mem>> -> memref<1x!tpu.dma_semaphore, #tpu.memory_space<semaphore_mem>>
    %dma_wait3A_9 = tpu.memref_squeeze %dma_wait3A : memref<1x!tpu.dma_semaphore, #tpu.memory_space<semaphore_mem>> -> memref<!tpu.dma_semaphore, #tpu.memory_space<semaphore_mem>>
    %dma_wait3A_10 = arith.constant 0 : i32
    %dma_wait3A_11 = arith.constant 0 : i32
    %dma_wait3A_12 = arith.constant 0 : i32
    %dma_wait3A_13 = tpu.memref_slice %arg5[%rem3A_0, %dma_wait3A_10, %dma_wait3A_11, %dma_wait3A_12] : memref<6x256x17x128xf32, #tpu.memory_space<vmem>> -> memref<1x128x17x128xf32, #tpu.memory_space<vmem>>
    %dma_wait3A_14 = tpu.memref_squeeze %dma_wait3A_13 : memref<1x128x17x128xf32, #tpu.memory_space<vmem>> -> memref<128x17x128xf32, #tpu.memory_space<vmem>>
    %dma_wait3A_15 = arith.constant 0 : i32
    %dma_wait3A_16 = arith.constant 0 : i32
    %dma_wait3A_17 = arith.constant 0 : i32
    %dma_wait3A_18 = tpu.memref_slice %arg1[%dma_wait3A_15, %dma_wait3A_16, %dma_wait3A_17] : memref<16384x17x128xf32, #tpu.memory_space<hbm>> -> memref<128x17x128xf32, #tpu.memory_space<hbm>>
    tpu.wait_dma2 semaphore(%dma_wait3A_9 : memref<!tpu.dma_semaphore, #tpu.memory_space<semaphore_mem>>) src(%dma_wait3A_18 : memref<128x17x128xf32, #tpu.memory_space<hbm>>) dst(%dma_wait3A_14 : memref<128x17x128xf32, #tpu.memory_space<vmem>>)
    %dma_wait3A_19 = tpu.memref_slice %arg7[%rem3A_0] : memref<6x!tpu.dma_semaphore, #tpu.memory_space<semaphore_mem>> -> memref<1x!tpu.dma_semaphore, #tpu.memory_space<semaphore_mem>>
    %dma_wait3A_20 = tpu.memref_squeeze %dma_wait3A_19 : memref<1x!tpu.dma_semaphore, #tpu.memory_space<semaphore_mem>> -> memref<!tpu.dma_semaphore, #tpu.memory_space<semaphore_mem>>
    %dma_wait3A_21 = arith.constant 128 : i32
    %dma_wait3A_22 = arith.constant 0 : i32
    %dma_wait3A_23 = arith.constant 0 : i32
    %dma_wait3A_24 = tpu.memref_slice %arg5[%rem3A_0, %dma_wait3A_21, %dma_wait3A_22, %dma_wait3A_23] : memref<6x256x17x128xf32, #tpu.memory_space<vmem>> -> memref<1x128x17x128xf32, #tpu.memory_space<vmem>>
    %dma_wait3A_25 = tpu.memref_squeeze %dma_wait3A_24 : memref<1x128x17x128xf32, #tpu.memory_space<vmem>> -> memref<128x17x128xf32, #tpu.memory_space<vmem>>
    %dma_wait3A_26 = arith.constant 128 : i32
    %dma_wait3A_27 = arith.constant 0 : i32
    %dma_wait3A_28 = arith.constant 0 : i32
    %dma_wait3A_29 = tpu.memref_slice %arg1[%dma_wait3A_26, %dma_wait3A_27, %dma_wait3A_28] : memref<16384x17x128xf32, #tpu.memory_space<hbm>> -> memref<128x17x128xf32, #tpu.memory_space<hbm>>
    tpu.wait_dma2 semaphore(%dma_wait3A_20 : memref<!tpu.dma_semaphore, #tpu.memory_space<semaphore_mem>>) src(%dma_wait3A_29 : memref<128x17x128xf32, #tpu.memory_space<hbm>>) dst(%dma_wait3A_25 : memref<128x17x128xf32, #tpu.memory_space<vmem>>)
    %get3A = arith.index_cast %rem3A_0 : i32 to index
    %get3A_30 = arith.constant 0 : index
    %get3A_31 = arith.constant 0 : index
    %get3A_32 = arith.constant 0 : index
    %get3A_33 = vector.load %arg5[%get3A, %get3A_30, %get3A_31, %get3A_32] : memref<6x256x17x128xf32, #tpu.memory_space<vmem>>, vector<1x256x17x128xf32>
    %get3A_34 = vector.shape_cast %get3A_33 : vector<1x256x17x128xf32> to vector<256x17x128xf32>
    %transpose3A = tpu.transpose %get3A_34, [1, 0, 2] : vector<256x17x128xf32> -> vector<17x256x128xf32>
    %slice3A = vector.extract_strided_slice %transpose3A {offsets = [1, 0, 0], sizes = [1, 256, 128], strides = [1, 1, 1]} : vector<17x256x128xf32> to vector<1x256x128xf32>
    %squeeze3A = vector.shape_cast %slice3A : vector<1x256x128xf32> to vector<256x128xf32>
    %slice3A_35 = vector.extract_strided_slice %transpose3A {offsets = [2, 0, 0], sizes = [1, 256, 128], strides = [1, 1, 1]} : vector<17x256x128xf32> to vector<1x256x128xf32>
    %squeeze3A_36 = vector.shape_cast %slice3A_35 : vector<1x256x128xf32> to vector<256x128xf32>
    %add3A_37 = arith.addf %squeeze3A, %squeeze3A_36 : vector<256x128xf32>
    %slice3A_38 = vector.extract_strided_slice %transpose3A {offsets = [3, 0, 0], sizes = [1, 256, 128], strides = [1, 1, 1]} : vector<17x256x128xf32> to vector<1x256x128xf32>
    %squeeze3A_39 = vector.shape_cast %slice3A_38 : vector<1x256x128xf32> to vector<256x128xf32>
    %add3A_40 = arith.addf %add3A_37, %squeeze3A_39 : vector<256x128xf32>
    %mul3A = arith.constant 0.333333343 : f32
    %mul3A_41 = vector.broadcast %mul3A : f32 to vector<256x128xf32>
    %mul3A_42 = arith.mulf %add3A_40, %mul3A_41 : vector<256x128xf32>
    %slice3A_43 = vector.extract_strided_slice %transpose3A {offsets = [4, 0, 0], sizes = [1, 256, 128], strides = [1, 1, 1]} : vector<17x256x128xf32> to vector<1x256x128xf32>
    %squeeze3A_44 = vector.shape_cast %slice3A_43 : vector<1x256x128xf32> to vector<256x128xf32>
    %slice3A_45 = vector.extract_strided_slice %transpose3A {offsets = [5, 0, 0], sizes = [1, 256, 128], strides = [1, 1, 1]} : vector<17x256x128xf32> to vector<1x256x128xf32>
    %squeeze3A_46 = vector.shape_cast %slice3A_45 : vector<1x256x128xf32> to vector<256x128xf32>
    %add3A_47 = arith.addf %squeeze3A_44, %squeeze3A_46 : vector<256x128xf32>
    %slice3A_48 = vector.extract_strided_slice %transpose3A {offsets = [6, 0, 0], sizes = [1, 256, 128], strides = [1, 1, 1]} : vector<17x256x128xf32> to vector<1x256x128xf32>
    %squeeze3A_49 = vector.shape_cast %slice3A_48 : vector<1x256x128xf32> to vector<256x128xf32>
    %add3A_50 = arith.addf %add3A_47, %squeeze3A_49 : vector<256x128xf32>
    %mul3A_51 = arith.constant 0.333333343 : f32
    %mul3A_52 = vector.broadcast %mul3A_51 : f32 to vector<256x128xf32>
    %mul3A_53 = arith.mulf %add3A_50, %mul3A_52 : vector<256x128xf32>
    %slice3A_54 = vector.extract_strided_slice %transpose3A {offsets = [0, 0, 0], sizes = [1, 256, 128], strides = [1, 1, 1]} : vector<17x256x128xf32> to vector<1x256x128xf32>
    %squeeze3A_55 = vector.shape_cast %slice3A_54 : vector<1x256x128xf32> to vector<256x128xf32>
    %slice3A_56 = vector.extract_strided_slice %transpose3A {offsets = [7, 0, 0], sizes = [1, 256, 128], strides = [1, 1, 1]} : vector<17x256x128xf32> to vector<1x256x128xf32>
    %squeeze3A_57 = vector.shape_cast %slice3A_56 : vector<1x256x128xf32> to vector<256x128xf32>
    %add3A_58 = arith.addf %squeeze3A_55, %squeeze3A_57 : vector<256x128xf32>
    %slice3A_59 = vector.extract_strided_slice %transpose3A {offsets = [8, 0, 0], sizes = [1, 256, 128], strides = [1, 1, 1]} : vector<17x256x128xf32> to vector<1x256x128xf32>
    %squeeze3A_60 = vector.shape_cast %slice3A_59 : vector<1x256x128xf32> to vector<256x128xf32>
    %add3A_61 = arith.addf %add3A_58, %squeeze3A_60 : vector<256x128xf32>
    %slice3A_62 = vector.extract_strided_slice %transpose3A {offsets = [9, 0, 0], sizes = [1, 256, 128], strides = [1, 1, 1]} : vector<17x256x128xf32> to vector<1x256x128xf32>
    %squeeze3A_63 = vector.shape_cast %slice3A_62 : vector<1x256x128xf32> to vector<256x128xf32>
    %add3A_64 = arith.addf %add3A_61, %squeeze3A_63 : vector<256x128xf32>
    %slice3A_65 = vector.extract_strided_slice %transpose3A {offsets = [10, 0, 0], sizes = [1, 256, 128], strides = [1, 1, 1]} : vector<17x256x128xf32> to vector<1x256x128xf32>
    %squeeze3A_66 = vector.shape_cast %slice3A_65 : vector<1x256x128xf32> to vector<256x128xf32>
    %add3A_67 = arith.addf %add3A_64, %squeeze3A_66 : vector<256x128xf32>
    %mul3A_68 = arith.constant 2.000000e-01 : f32
    %mul3A_69 = vector.broadcast %mul3A_68 : f32 to vector<256x128xf32>
    %mul3A_70 = arith.mulf %add3A_67, %mul3A_69 : vector<256x128xf32>
    %slice3A_71 = vector.extract_strided_slice %transpose3A {offsets = [11, 0, 0], sizes = [1, 256, 128], strides = [1, 1, 1]} : vector<17x256x128xf32> to vector<1x256x128xf32>
    %squeeze3A_72 = vector.shape_cast %slice3A_71 : vector<1x256x128xf32> to vector<256x128xf32>
    %slice3A_73 = vector.extract_strided_slice %transpose3A {offsets = [12, 0, 0], sizes = [1, 256, 128], strides = [1, 1, 1]} : vector<17x256x128xf32> to vector<1x256x128xf32>
    %squeeze3A_74 = vector.shape_cast %slice3A_73 : vector<1x256x128xf32> to vector<256x128xf32>
    %add3A_75 = arith.addf %squeeze3A_72, %squeeze3A_74 : vector<256x128xf32>
    %slice3A_76 = vector.extract_strided_slice %transpose3A {offsets = [13, 0, 0], sizes = [1, 256, 128], strides = [1, 1, 1]} : vector<17x256x128xf32> to vector<1x256x128xf32>
    %squeeze3A_77 = vector.shape_cast %slice3A_76 : vector<1x256x128xf32> to vector<256x128xf32>
    %add3A_78 = arith.addf %add3A_75, %squeeze3A_77 : vector<256x128xf32>
    %mul3A_79 = arith.constant 0.333333343 : f32
    %mul3A_80 = vector.broadcast %mul3A_79 : f32 to vector<256x128xf32>
    %mul3A_81 = arith.mulf %add3A_78, %mul3A_80 : vector<256x128xf32>
    %slice3A_82 = vector.extract_strided_slice %transpose3A {offsets = [14, 0, 0], sizes = [1, 256, 128], strides = [1, 1, 1]} : vector<17x256x128xf32> to vector<1x256x128xf32>
    %squeeze3A_83 = vector.shape_cast %slice3A_82 : vector<1x256x128xf32> to vector<256x128xf32>
    %slice3A_84 = vector.extract_strided_slice %transpose3A {offsets = [15, 0, 0], sizes = [1, 256, 128], strides = [1, 1, 1]} : vector<17x256x128xf32> to vector<1x256x128xf32>
    %squeeze3A_85 = vector.shape_cast %slice3A_84 : vector<1x256x128xf32> to vector<256x128xf32>
    %add3A_86 = arith.addf %squeeze3A_83, %squeeze3A_85 : vector<256x128xf32>
    %slice3A_87 = vector.extract_strided_slice %transpose3A {offsets = [16, 0, 0], sizes = [1, 256, 128], strides = [1, 1, 1]} : vector<17x256x128xf32> to vector<1x256x128xf32>
    %squeeze3A_88 = vector.shape_cast %slice3A_87 : vector<1x256x128xf32> to vector<256x128xf32>
    %add3A_89 = arith.addf %add3A_86, %squeeze3A_88 : vector<256x128xf32>
    %mul3A_90 = arith.constant 0.333333343 : f32
    %mul3A_91 = vector.broadcast %mul3A_90 : f32 to vector<256x128xf32>
    %mul3A_92 = arith.mulf %add3A_89, %mul3A_91 : vector<256x128xf32>
    %mul3A_93 = arith.constant 5.000000e-01 : f32
    %mul3A_94 = vector.broadcast %mul3A_93 : f32 to vector<256x128xf32>
    %mul3A_95 = arith.mulf %mul3A_42, %mul3A_94 : vector<256x128xf32>
    %mul3A_96 = arith.constant -5.000000e-01 : f32
    %mul3A_97 = vector.broadcast %mul3A_96 : f32 to vector<256x128xf32>
    %mul3A_98 = arith.mulf %mul3A_70, %mul3A_97 : vector<256x128xf32>
    %add3A_99 = arith.addf %mul3A_95, %mul3A_98 : vector<256x128xf32>
    %mul3A_100 = arith.constant 5.000000e-01 : f32
    %mul3A_101 = vector.broadcast %mul3A_100 : f32 to vector<256x128xf32>
    %mul3A_102 = arith.mulf %mul3A_53, %mul3A_101 : vector<256x128xf32>
    %mul3A_103 = arith.constant -5.000000e-01 : f32
    %mul3A_104 = vector.broadcast %mul3A_103 : f32 to vector<256x128xf32>
    %mul3A_105 = arith.mulf %mul3A_70, %mul3A_104 : vector<256x128xf32>
    %add3A_106 = arith.addf %mul3A_102, %mul3A_105 : vector<256x128xf32>
    %mul3A_107 = arith.constant -2.000000e-01 : f32
    %mul3A_108 = vector.broadcast %mul3A_107 : f32 to vector<256x128xf32>
    %mul3A_109 = arith.mulf %mul3A_42, %mul3A_108 : vector<256x128xf32>
    %mul3A_110 = arith.constant -2.000000e-01 : f32
    %mul3A_111 = vector.broadcast %mul3A_110 : f32 to vector<256x128xf32>
    %mul3A_112 = arith.mulf %mul3A_53, %mul3A_111 : vector<256x128xf32>
    %add3A_113 = arith.addf %mul3A_109, %mul3A_112 : vector<256x128xf32>
    %mul3A_114 = arith.constant 8.000000e-01 : f32
    %mul3A_115 = vector.broadcast %mul3A_114 : f32 to vector<256x128xf32>
    %mul3A_116 = arith.mulf %mul3A_70, %mul3A_115 : vector<256x128xf32>
    %add3A_117 = arith.addf %add3A_113, %mul3A_116 : vector<256x128xf32>
    %mul3A_118 = arith.constant -2.000000e-01 : f32
    %mul3A_119 = vector.broadcast %mul3A_118 : f32 to vector<256x128xf32>
    %mul3A_120 = arith.mulf %mul3A_81, %mul3A_119 : vector<256x128xf32>
    %add3A_121 = arith.addf %add3A_117, %mul3A_120 : vector<256x128xf32>
    %mul3A_122 = arith.constant -2.000000e-01 : f32
    %mul3A_123 = vector.broadcast %mul3A_122 : f32 to vector<256x128xf32>
    %mul3A_124 = arith.mulf %mul3A_92, %mul3A_123 : vector<256x128xf32>
    %add3A_125 = arith.addf %add3A_121, %mul3A_124 : vector<256x128xf32>
    %mul3A_126 = arith.constant -5.000000e-01 : f32
    %mul3A_127 = vector.broadcast %mul3A_126 : f32 to vector<256x128xf32>
    %mul3A_128 = arith.mulf %mul3A_70, %mul3A_127 : vector<256x128xf32>
    %mul3A_129 = arith.constant 5.000000e-01 : f32
    %mul3A_130 = vector.broadcast %mul3A_129 : f32 to vector<256x128xf32>
    %mul3A_131 = arith.mulf %mul3A_81, %mul3A_130 : vector<256x128xf32>
    %add3A_132 = arith.addf %mul3A_128, %mul3A_131 : vector<256x128xf32>
    %mul3A_133 = arith.constant -5.000000e-01 : f32
    %mul3A_134 = vector.broadcast %mul3A_133 : f32 to vector<256x128xf32>
    %mul3A_135 = arith.mulf %mul3A_70, %mul3A_134 : vector<256x128xf32>
    %mul3A_136 = arith.constant 5.000000e-01 : f32
    %mul3A_137 = vector.broadcast %mul3A_136 : f32 to vector<256x128xf32>
    %mul3A_138 = arith.mulf %mul3A_92, %mul3A_137 : vector<256x128xf32>
    %add3A_139 = arith.addf %mul3A_135, %mul3A_138 : vector<256x128xf32>
    %mul3A_140 = arith.constant 5.000000e-01 : f32
    %mul3A_141 = vector.broadcast %mul3A_140 : f32 to vector<256x128xf32>
    %mul3A_142 = arith.mulf %add3A_99, %mul3A_141 : vector<256x128xf32>
    %mul3A_143 = arith.constant -5.000000e-01 : f32
    %mul3A_144 = vector.broadcast %mul3A_143 : f32 to vector<256x128xf32>
    %mul3A_145 = arith.mulf %add3A_125, %mul3A_144 : vector<256x128xf32>
    %add3A_146 = arith.addf %mul3A_142, %mul3A_145 : vector<256x128xf32>
    %mul3A_147 = arith.constant 5.000000e-01 : f32
    %mul3A_148 = vector.broadcast %mul3A_147 : f32 to vector<256x128xf32>
    %mul3A_149 = arith.mulf %add3A_106, %mul3A_148 : vector<256x128xf32>
    %mul3A_150 = arith.constant -5.000000e-01 : f32
    %mul3A_151 = vector.broadcast %mul3A_150 : f32 to vector<256x128xf32>
    %mul3A_152 = arith.mulf %add3A_125, %mul3A_151 : vector<256x128xf32>
    %add3A_153 = arith.addf %mul3A_149, %mul3A_152 : vector<256x128xf32>
    %mul3A_154 = arith.constant -2.000000e-01 : f32
    %mul3A_155 = vector.broadcast %mul3A_154 : f32 to vector<256x128xf32>
    %mul3A_156 = arith.mulf %add3A_99, %mul3A_155 : vector<256x128xf32>
    %mul3A_157 = arith.constant -2.000000e-01 : f32
    %mul3A_158 = vector.broadcast %mul3A_157 : f32 to vector<256x128xf32>
    %mul3A_159 = arith.mulf %add3A_106, %mul3A_158 : vector<256x128xf32>
    %add3A_160 = arith.addf %mul3A_156, %mul3A_159 : vector<256x128xf32>
    %mul3A_161 = arith.constant 8.000000e-01 : f32
    %mul3A_162 = vector.broadcast %mul3A_161 : f32 to vector<256x128xf32>
    %mul3A_163 = arith.mulf %add3A_125, %mul3A_162 : vector<256x128xf32>
    %add3A_164 = arith.addf %add3A_160, %mul3A_163 : vector<256x128xf32>
    %mul3A_165 = arith.constant -2.000000e-01 : f32
    %mul3A_166 = vector.broadcast %mul3A_165 : f32 to vector<256x128xf32>
    %mul3A_167 = arith.mulf %add3A_132, %mul3A_166 : vector<256x128xf32>
    %add3A_168 = arith.addf %add3A_164, %mul3A_167 : vector<256x128xf32>
    %mul3A_169 = arith.constant -2.000000e-01 : f32
    %mul3A_170 = vector.broadcast %mul3A_169 : f32 to vector<256x128xf32>
    %mul3A_171 = arith.mulf %add3A_139, %mul3A_170 : vector<256x128xf32>
    %add3A_172 = arith.addf %add3A_168, %mul3A_171 : vector<256x128xf32>
    %mul3A_173 = arith.constant -5.000000e-01 : f32
    %mul3A_174 = vector.broadcast %mul3A_173 : f32 to vector<256x128xf32>
    %mul3A_175 = arith.mulf %add3A_125, %mul3A_174 : vector<256x128xf32>
    %mul3A_176 = arith.constant 5.000000e-01 : f32
    %mul3A_177 = vector.broadcast %mul3A_176 : f32 to vector<256x128xf32>
    %mul3A_178 = arith.mulf %add3A_132, %mul3A_177 : vector<256x128xf32>
    %add3A_179 = arith.addf %mul3A_175, %mul3A_178 : vector<256x128xf32>
    %mul3A_180 = arith.constant -5.000000e-01 : f32
    %mul3A_181 = vector.broadcast %mul3A_180 : f32 to vector<256x128xf32>
    %mul3A_182 = arith.mulf %add3A_125, %mul3A_181 : vector<256x128xf32>
    %mul3A_183 = arith.constant 5.000000e-01 : f32
    %mul3A_184 = vector.broadcast %mul3A_183 : f32 to vector<256x128xf32>
    %mul3A_185 = arith.mulf %add3A_139, %mul3A_184 : vector<256x128xf32>
    %add3A_186 = arith.addf %mul3A_182, %mul3A_185 : vector<256x128xf32>
    %mul3A_187 = arith.constant 2.000000e+00 : f32
    %mul3A_188 = vector.broadcast %mul3A_187 : f32 to vector<256x128xf32>
    %mul3A_189 = arith.mulf %mul3A_188, %add3A_146 : vector<256x128xf32>
    %sub3A_190 = arith.subf %mul3A_189, %mul3A_42 : vector<256x128xf32>
    %mul3A_191 = arith.constant 2.000000e+00 : f32
    %mul3A_192 = vector.broadcast %mul3A_191 : f32 to vector<256x128xf32>
    %mul3A_193 = arith.mulf %mul3A_192, %add3A_153 : vector<256x128xf32>
    %sub3A_194 = arith.subf %mul3A_193, %mul3A_53 : vector<256x128xf32>
    %mul3A_195 = arith.constant 2.000000e+00 : f32
    %mul3A_196 = vector.broadcast %mul3A_195 : f32 to vector<256x128xf32>
    %mul3A_197 = arith.mulf %mul3A_196, %add3A_172 : vector<256x128xf32>
    %sub3A_198 = arith.subf %mul3A_197, %mul3A_70 : vector<256x128xf32>
    %mul3A_199 = arith.constant 2.000000e+00 : f32
    %mul3A_200 = vector.broadcast %mul3A_199 : f32 to vector<256x128xf32>
    %mul3A_201 = arith.mulf %mul3A_200, %add3A_179 : vector<256x128xf32>
    %sub3A_202 = arith.subf %mul3A_201, %mul3A_81 : vector<256x128xf32>
    %mul3A_203 = arith.constant 2.000000e+00 : f32
    %mul3A_204 = vector.broadcast %mul3A_203 : f32 to vector<256x128xf32>
    %mul3A_205 = arith.mulf %mul3A_204, %add3A_186 : vector<256x128xf32>
    %sub3A_206 = arith.subf %mul3A_205, %mul3A_92 : vector<256x128xf32>
    %get3A_207 = arith.constant 0 : index
    %get3A_208 = arith.constant 0 : index
    %get3A_209 = vector.load %arg3[%get3A_207, %get3A_208] : memref<1x128xf32, #tpu.memory_space<vmem>>, vector<1x128xf32>
    %get3A_210 = arith.constant 0 : index
    %get3A_211 = arith.constant 0 : index
    %get3A_212 = vector.load %arg2[%get3A_210, %get3A_211] : memref<384x128xf32, #tpu.memory_space<vmem>>, vector<384x128xf32>
    %concatenate3A = tpu.concatenate %mul3A_42, %add3A_99, %sub3A_190 in 1 : vector<256x128xf32>, vector<256x128xf32>, vector<256x128xf32> -> vector<256x384xf32>
    %dot_general3A = arith.constant dense<0.000000e+00> : vector<256x128xf32>
    %dot_general3A_213 = tpu.matmul %concatenate3A, %get3A_212, %dot_general3A {dimension_numbers = #tpu.dot_dimension_numbers<[1], [0], [0], [1], [0, 0, 1, 1], [], []>, transpose_lhs_hint = false} : vector<256x384xf32>, vector<384x128xf32>, vector<256x128xf32> -> vector<256x128xf32>
    %add3A_214 = vector.broadcast %get3A_209 : vector<1x128xf32> to vector<256x128xf32>
    %add3A_215 = arith.addf %dot_general3A_213, %add3A_214 : vector<256x128xf32>
    %concatenate3A_216 = tpu.concatenate %mul3A_53, %add3A_106, %sub3A_194 in 1 : vector<256x128xf32>, vector<256x128xf32>, vector<256x128xf32> -> vector<256x384xf32>
    %dot_general3A_217 = arith.constant dense<0.000000e+00> : vector<256x128xf32>
    %dot_general3A_218 = tpu.matmul %concatenate3A_216, %get3A_212, %dot_general3A_217 {dimension_numbers = #tpu.dot_dimension_numbers<[1], [0], [0], [1], [0, 0, 1, 1], [], []>, transpose_lhs_hint = false} : vector<256x384xf32>, vector<384x128xf32>, vector<256x128xf32> -> vector<256x128xf32>
    %add3A_219 = vector.broadcast %get3A_209 : vector<1x128xf32> to vector<256x128xf32>
    %add3A_220 = arith.addf %dot_general3A_218, %add3A_219 : vector<256x128xf32>
    %concatenate3A_221 = tpu.concatenate %mul3A_70, %add3A_125, %sub3A_198 in 1 : vector<256x128xf32>, vector<256x128xf32>, vector<256x128xf32> -> vector<256x384xf32>
    %dot_general3A_222 = arith.constant dense<0.000000e+00> : vector<256x128xf32>
    %dot_general3A_223 = tpu.matmul %concatenate3A_221, %get3A_212, %dot_general3A_222 {dimension_numbers = #tpu.dot_dimension_numbers<[1], [0], [0], [1], [0, 0, 1, 1], [], []>, transpose_lhs_hint = false} : vector<256x384xf32>, vector<384x128xf32>, vector<256x128xf32> -> vector<256x128xf32>
    %add3A_224 = vector.broadcast %get3A_209 : vector<1x128xf32> to vector<256x128xf32>
    %add3A_225 = arith.addf %dot_general3A_223, %add3A_224 : vector<256x128xf32>
    %concatenate3A_226 = tpu.concatenate %mul3A_81, %add3A_132, %sub3A_202 in 1 : vector<256x128xf32>, vector<256x128xf32>, vector<256x128xf32> -> vector<256x384xf32>
    %dot_general3A_227 = arith.constant dense<0.000000e+00> : vector<256x128xf32>
    %dot_general3A_228 = tpu.matmul %concatenate3A_226, %get3A_212, %dot_general3A_227 {dimension_numbers = #tpu.dot_dimension_numbers<[1], [0], [0], [1], [0, 0, 1, 1], [], []>, transpose_lhs_hint = false} : vector<256x384xf32>, vector<384x128xf32>, vector<256x128xf32> -> vector<256x128xf32>
    %add3A_229 = vector.broadcast %get3A_209 : vector<1x128xf32> to vector<256x128xf32>
    %add3A_230 = arith.addf %dot_general3A_228, %add3A_229 : vector<256x128xf32>
    %concatenate3A_231 = tpu.concatenate %mul3A_92, %add3A_139, %sub3A_206 in 1 : vector<256x128xf32>, vector<256x128xf32>, vector<256x128xf32> -> vector<256x384xf32>
    %dot_general3A_232 = arith.constant dense<0.000000e+00> : vector<256x128xf32>
    %dot_general3A_233 = tpu.matmul %concatenate3A_231, %get3A_212, %dot_general3A_232 {dimension_numbers = #tpu.dot_dimension_numbers<[1], [0], [0], [1], [0, 0, 1, 1], [], []>, transpose_lhs_hint = false} : vector<256x384xf32>, vector<384x128xf32>, vector<256x128xf32> -> vector<256x128xf32>
    %add3A_234 = vector.broadcast %get3A_209 : vector<1x128xf32> to vector<256x128xf32>
    %add3A_235 = arith.addf %dot_general3A_233, %add3A_234 : vector<256x128xf32>
    %ge3A = arith.constant 6 : i32
    %ge3A_236 = arith.cmpi sge, %arg0, %ge3A : i32
    %convert_element_type3A_237 = arith.extui %ge3A_236 : i1 to i32
    %cond3A_238 = arith.constant 0 : i32
    %cond3A_239 = arith.cmpi ne, %convert_element_type3A_237, %cond3A_238 : i32
    scf.if %cond3A_239 {
      %dma_wait3A_267 = tpu.memref_slice %arg8[%rem3A_0] : memref<6x!tpu.dma_semaphore, #tpu.memory_space<semaphore_mem>> -> memref<1x!tpu.dma_semaphore, #tpu.memory_space<semaphore_mem>>
      %dma_wait3A_268 = tpu.memref_squeeze %dma_wait3A_267 : memref<1x!tpu.dma_semaphore, #tpu.memory_space<semaphore_mem>> -> memref<!tpu.dma_semaphore, #tpu.memory_space<semaphore_mem>>
      %dma_wait3A_269 = arith.constant 0 : i32
      %dma_wait3A_270 = arith.constant 0 : i32
      %dma_wait3A_271 = arith.constant 0 : i32
      %dma_wait3A_272 = tpu.memref_slice %arg4[%dma_wait3A_269, %dma_wait3A_270, %dma_wait3A_271] : memref<16384x5x128xf32, #tpu.memory_space<hbm>> -> memref<256x5x128xf32, #tpu.memory_space<hbm>>
      %dma_wait3A_273 = arith.constant 0 : i32
      %dma_wait3A_274 = arith.constant 0 : i32
      %dma_wait3A_275 = arith.constant 0 : i32
      %dma_wait3A_276 = tpu.memref_slice %arg6[%rem3A_0, %dma_wait3A_273, %dma_wait3A_274, %dma_wait3A_275] : memref<6x256x5x128xf32, #tpu.memory_space<vmem>> -> memref<1x256x5x128xf32, #tpu.memory_space<vmem>>
      %dma_wait3A_277 = tpu.memref_squeeze %dma_wait3A_276 : memref<1x256x5x128xf32, #tpu.memory_space<vmem>> -> memref<256x5x128xf32, #tpu.memory_space<vmem>>
      tpu.wait_dma2 semaphore(%dma_wait3A_268 : memref<!tpu.dma_semaphore, #tpu.memory_space<semaphore_mem>>) src(%dma_wait3A_277 : memref<256x5x128xf32, #tpu.memory_space<vmem>>) dst(%dma_wait3A_272 : memref<256x5x128xf32, #tpu.memory_space<hbm>>)
    } else {
    }
    %stack3A = vector.shape_cast %add3A_215 : vector<256x128xf32> to vector<256x1x128xf32>
    %stack3A_240 = vector.shape_cast %add3A_220 : vector<256x128xf32> to vector<256x1x128xf32>
    %stack3A_241 = vector.shape_cast %add3A_225 : vector<256x128xf32> to vector<256x1x128xf32>
    %stack3A_242 = vector.shape_cast %add3A_230 : vector<256x128xf32> to vector<256x1x128xf32>
    %stack3A_243 = vector.shape_cast %add3A_235 : vector<256x128xf32> to vector<256x1x128xf32>
    %stack3A_244 = tpu.concatenate %stack3A, %stack3A_240, %stack3A_241, %stack3A_242, %stack3A_243 in 1 : vector<256x1x128xf32>, vector<256x1x128xf32>, vector<256x1x128xf32>, vector<256x1x128xf32>, vector<256x1x128xf32> -> vector<256x5x128xf32>
    %swap3A = arith.index_cast %rem3A_0 : i32 to index
    %swap3A_245 = arith.constant 0 : index
    %swap3A_246 = arith.constant 0 : index
    %swap3A_247 = arith.constant 0 : index
    %swap3A_248 = vector.load %arg6[%swap3A, %swap3A_245, %swap3A_246, %swap3A_247] : memref<6x256x5x128xf32, #tpu.memory_space<vmem>>, vector<1x256x5x128xf32>
    %swap3A_249 = vector.shape_cast %swap3A_248 : vector<1x256x5x128xf32> to vector<256x5x128xf32>
    %swap3A_250 = vector.shape_cast %stack3A_244 : vector<256x5x128xf32> to vector<1x256x5x128xf32>
    tpu.vector_store %arg6[%swap3A, %swap3A_245, %swap3A_246, %swap3A_247], %swap3A_250 {strides = array<i32>} : memref<6x256x5x128xf32, #tpu.memory_space<vmem>>, vector<1x256x5x128xf32>,
    %mul3A_251 = arith.constant 256 : i32
    %mul3A_252 = arith.muli %arg0, %mul3A_251 : i32
    %dma_start3A = tpu.memref_slice %arg8[%rem3A_0] : memref<6x!tpu.dma_semaphore, #tpu.memory_space<semaphore_mem>> -> memref<1x!tpu.dma_semaphore, #tpu.memory_space<semaphore_mem>>
    %dma_start3A_253 = tpu.memref_squeeze %dma_start3A : memref<1x!tpu.dma_semaphore, #tpu.memory_space<semaphore_mem>> -> memref<!tpu.dma_semaphore, #tpu.memory_space<semaphore_mem>>
    %dma_start3A_254 = arith.constant 0 : i32
    %dma_start3A_255 = arith.constant 0 : i32
    %dma_start3A_256 = tpu.memref_slice %arg4[%mul3A_252, %dma_start3A_254, %dma_start3A_255] : memref<16384x5x128xf32, #tpu.memory_space<hbm>> -> memref<256x5x128xf32, #tpu.memory_space<hbm>>
    %dma_start3A_257 = arith.constant 0 : i32
    %dma_start3A_258 = arith.constant 0 : i32
    %dma_start3A_259 = arith.constant 0 : i32
    %dma_start3A_260 = tpu.memref_slice %arg6[%rem3A_0, %dma_start3A_257, %dma_start3A_258, %dma_start3A_259] : memref<6x256x5x128xf32, #tpu.memory_space<vmem>> -> memref<1x256x5x128xf32, #tpu.memory_space<vmem>>
    %dma_start3A_261 = tpu.memref_squeeze %dma_start3A_260 : memref<1x256x5x128xf32, #tpu.memory_space<vmem>> -> memref<256x5x128xf32, #tpu.memory_space<vmem>>
    tpu.enqueue_dma source(%dma_start3A_261 : memref<256x5x128xf32, #tpu.memory_space<vmem>>) target(%dma_start3A_256 : memref<256x5x128xf32, #tpu.memory_space<hbm>>) target_semaphore(%dma_start3A_253 : memref<!tpu.dma_semaphore, #tpu.memory_space<semaphore_mem>>)
    %eq3A_262 = arith.constant 63 : i32
    %eq3A_263 = arith.cmpi eq, %arg0, %eq3A_262 : i32
    %convert_element_type3A_264 = arith.extui %eq3A_263 : i1 to i32
    %cond3A_265 = arith.constant 0 : i32
    %cond3A_266 = arith.cmpi ne, %convert_element_type3A_264, %cond3A_265 : i32
    scf.if %cond3A_266 {
      %add3A_267 = arith.constant 1 : i32
      %add3A_268 = arith.addi %arg0, %add3A_267 : i32
      %rem3A_269 = arith.constant 6 : i32
      %rem3A_270 = arith.remsi %add3A_268, %rem3A_269 : i32
      %dma_wait3A_271 = tpu.memref_slice %arg8[%rem3A_270] : memref<6x!tpu.dma_semaphore, #tpu.memory_space<semaphore_mem>> -> memref<1x!tpu.dma_semaphore, #tpu.memory_space<semaphore_mem>>
      %dma_wait3A_272 = tpu.memref_squeeze %dma_wait3A_271 : memref<1x!tpu.dma_semaphore, #tpu.memory_space<semaphore_mem>> -> memref<!tpu.dma_semaphore, #tpu.memory_space<semaphore_mem>>
      %dma_wait3A_273 = arith.constant 0 : i32
      %dma_wait3A_274 = arith.constant 0 : i32
      %dma_wait3A_275 = arith.constant 0 : i32
      %dma_wait3A_276 = tpu.memref_slice %arg4[%dma_wait3A_273, %dma_wait3A_274, %dma_wait3A_275] : memref<16384x5x128xf32, #tpu.memory_space<hbm>> -> memref<256x5x128xf32, #tpu.memory_space<hbm>>
      %dma_wait3A_277 = arith.constant 0 : i32
      %dma_wait3A_278 = arith.constant 0 : i32
      %dma_wait3A_279 = arith.constant 0 : i32
      %dma_wait3A_280 = tpu.memref_slice %arg6[%rem3A_270, %dma_wait3A_277, %dma_wait3A_278, %dma_wait3A_279] : memref<6x256x5x128xf32, #tpu.memory_space<vmem>> -> memref<1x256x5x128xf32, #tpu.memory_space<vmem>>
      %dma_wait3A_281 = tpu.memref_squeeze %dma_wait3A_280 : memref<1x256x5x128xf32, #tpu.memory_space<vmem>> -> memref<256x5x128xf32, #tpu.memory_space<vmem>>
      tpu.wait_dma2 semaphore(%dma_wait3A_272 : memref<!tpu.dma_semaphore, #tpu.memory_space<semaphore_mem>>) src(%dma_wait3A_281 : memref<256x5x128xf32, #tpu.memory_space<vmem>>) dst(%dma_wait3A_276 : memref<256x5x128xf32, #tpu.memory_space<hbm>>)
      %add3A_282 = arith.constant 2 : i32
      %add3A_283 = arith.addi %arg0, %add3A_282 : i32
      %rem3A_284 = arith.constant 6 : i32
      %rem3A_285 = arith.remsi %add3A_283, %rem3A_284 : i32
      %dma_wait3A_286 = tpu.memref_slice %arg8[%rem3A_285] : memref<6x!tpu.dma_semaphore, #tpu.memory_space<semaphore_mem>> -> memref<1x!tpu.dma_semaphore, #tpu.memory_space<semaphore_mem>>
      %dma_wait3A_287 = tpu.memref_squeeze %dma_wait3A_286 : memref<1x!tpu.dma_semaphore, #tpu.memory_space<semaphore_mem>> -> memref<!tpu.dma_semaphore, #tpu.memory_space<semaphore_mem>>
      %dma_wait3A_288 = arith.constant 0 : i32
      %dma_wait3A_289 = arith.constant 0 : i32
      %dma_wait3A_290 = arith.constant 0 : i32
      %dma_wait3A_291 = tpu.memref_slice %arg4[%dma_wait3A_288, %dma_wait3A_289, %dma_wait3A_290] : memref<16384x5x128xf32, #tpu.memory_space<hbm>> -> memref<256x5x128xf32, #tpu.memory_space<hbm>>
      %dma_wait3A_292 = arith.constant 0 : i32
      %dma_wait3A_293 = arith.constant 0 : i32
      %dma_wait3A_294 = arith.constant 0 : i32
      %dma_wait3A_295 = tpu.memref_slice %arg6[%rem3A_285, %dma_wait3A_292, %dma_wait3A_293, %dma_wait3A_294] : memref<6x256x5x128xf32, #tpu.memory_space<vmem>> -> memref<1x256x5x128xf32, #tpu.memory_space<vmem>>
      %dma_wait3A_296 = tpu.memref_squeeze %dma_wait3A_295 : memref<1x256x5x128xf32, #tpu.memory_space<vmem>> -> memref<256x5x128xf32, #tpu.memory_space<vmem>>
      tpu.wait_dma2 semaphore(%dma_wait3A_287 : memref<!tpu.dma_semaphore, #tpu.memory_space<semaphore_mem>>) src(%dma_wait3A_296 : memref<256x5x128xf32, #tpu.memory_space<vmem>>) dst(%dma_wait3A_291 : memref<256x5x128xf32, #tpu.memory_space<hbm>>)
      %add3A_297 = arith.constant 3 : i32
      %add3A_298 = arith.addi %arg0, %add3A_297 : i32
      %rem3A_299 = arith.constant 6 : i32
      %rem3A_300 = arith.remsi %add3A_298, %rem3A_299 : i32
      %dma_wait3A_301 = tpu.memref_slice %arg8[%rem3A_300] : memref<6x!tpu.dma_semaphore, #tpu.memory_space<semaphore_mem>> -> memref<1x!tpu.dma_semaphore, #tpu.memory_space<semaphore_mem>>
      %dma_wait3A_302 = tpu.memref_squeeze %dma_wait3A_301 : memref<1x!tpu.dma_semaphore, #tpu.memory_space<semaphore_mem>> -> memref<!tpu.dma_semaphore, #tpu.memory_space<semaphore_mem>>
      %dma_wait3A_303 = arith.constant 0 : i32
      %dma_wait3A_304 = arith.constant 0 : i32
      %dma_wait3A_305 = arith.constant 0 : i32
      %dma_wait3A_306 = tpu.memref_slice %arg4[%dma_wait3A_303, %dma_wait3A_304, %dma_wait3A_305] : memref<16384x5x128xf32, #tpu.memory_space<hbm>> -> memref<256x5x128xf32, #tpu.memory_space<hbm>>
      %dma_wait3A_307 = arith.constant 0 : i32
      %dma_wait3A_308 = arith.constant 0 : i32
      %dma_wait3A_309 = arith.constant 0 : i32
      %dma_wait3A_310 = tpu.memref_slice %arg6[%rem3A_300, %dma_wait3A_307, %dma_wait3A_308, %dma_wait3A_309] : memref<6x256x5x128xf32, #tpu.memory_space<vmem>> -> memref<1x256x5x128xf32, #tpu.memory_space<vmem>>
      %dma_wait3A_311 = tpu.memref_squeeze %dma_wait3A_310 : memref<1x256x5x128xf32, #tpu.memory_space<vmem>> -> memref<256x5x128xf32, #tpu.memory_space<vmem>>
      tpu.wait_dma2 semaphore(%dma_wait3A_302 : memref<!tpu.dma_semaphore, #tpu.memory_space<semaphore_mem>>) src(%dma_wait3A_311 : memref<256x5x128xf32, #tpu.memory_space<vmem>>) dst(%dma_wait3A_306 : memref<256x5x128xf32, #tpu.memory_space<hbm>>)
      %add3A_312 = arith.constant 4 : i32
      %add3A_313 = arith.addi %arg0, %add3A_312 : i32
      %rem3A_314 = arith.constant 6 : i32
      %rem3A_315 = arith.remsi %add3A_313, %rem3A_314 : i32
      %dma_wait3A_316 = tpu.memref_slice %arg8[%rem3A_315] : memref<6x!tpu.dma_semaphore, #tpu.memory_space<semaphore_mem>> -> memref<1x!tpu.dma_semaphore, #tpu.memory_space<semaphore_mem>>
      %dma_wait3A_317 = tpu.memref_squeeze %dma_wait3A_316 : memref<1x!tpu.dma_semaphore, #tpu.memory_space<semaphore_mem>> -> memref<!tpu.dma_semaphore, #tpu.memory_space<semaphore_mem>>
      %dma_wait3A_318 = arith.constant 0 : i32
      %dma_wait3A_319 = arith.constant 0 : i32
      %dma_wait3A_320 = arith.constant 0 : i32
      %dma_wait3A_321 = tpu.memref_slice %arg4[%dma_wait3A_318, %dma_wait3A_319, %dma_wait3A_320] : memref<16384x5x128xf32, #tpu.memory_space<hbm>> -> memref<256x5x128xf32, #tpu.memory_space<hbm>>
      %dma_wait3A_322 = arith.constant 0 : i32
      %dma_wait3A_323 = arith.constant 0 : i32
      %dma_wait3A_324 = arith.constant 0 : i32
      %dma_wait3A_325 = tpu.memref_slice %arg6[%rem3A_315, %dma_wait3A_322, %dma_wait3A_323, %dma_wait3A_324] : memref<6x256x5x128xf32, #tpu.memory_space<vmem>> -> memref<1x256x5x128xf32, #tpu.memory_space<vmem>>
      %dma_wait3A_326 = tpu.memref_squeeze %dma_wait3A_325 : memref<1x256x5x128xf32, #tpu.memory_space<vmem>> -> memref<256x5x128xf32, #tpu.memory_space<vmem>>
      tpu.wait_dma2 semaphore(%dma_wait3A_317 : memref<!tpu.dma_semaphore, #tpu.memory_space<semaphore_mem>>) src(%dma_wait3A_326 : memref<256x5x128xf32, #tpu.memory_space<vmem>>) dst(%dma_wait3A_321 : memref<256x5x128xf32, #tpu.memory_space<hbm>>)
      %add3A_327 = arith.constant 5 : i32
      %add3A_328 = arith.addi %arg0, %add3A_327 : i32
      %rem3A_329 = arith.constant 6 : i32
      %rem3A_330 = arith.remsi %add3A_328, %rem3A_329 : i32
      %dma_wait3A_331 = tpu.memref_slice %arg8[%rem3A_330] : memref<6x!tpu.dma_semaphore, #tpu.memory_space<semaphore_mem>> -> memref<1x!tpu.dma_semaphore, #tpu.memory_space<semaphore_mem>>
      %dma_wait3A_332 = tpu.memref_squeeze %dma_wait3A_331 : memref<1x!tpu.dma_semaphore, #tpu.memory_space<semaphore_mem>> -> memref<!tpu.dma_semaphore, #tpu.memory_space<semaphore_mem>>
      %dma_wait3A_333 = arith.constant 0 : i32
      %dma_wait3A_334 = arith.constant 0 : i32
      %dma_wait3A_335 = arith.constant 0 : i32
      %dma_wait3A_336 = tpu.memref_slice %arg4[%dma_wait3A_333, %dma_wait3A_334, %dma_wait3A_335] : memref<16384x5x128xf32, #tpu.memory_space<hbm>> -> memref<256x5x128xf32, #tpu.memory_space<hbm>>
      %dma_wait3A_337 = arith.constant 0 : i32
      %dma_wait3A_338 = arith.constant 0 : i32
      %dma_wait3A_339 = arith.constant 0 : i32
      %dma_wait3A_340 = tpu.memref_slice %arg6[%rem3A_330, %dma_wait3A_337, %dma_wait3A_338, %dma_wait3A_339] : memref<6x256x5x128xf32, #tpu.memory_space<vmem>> -> memref<1x256x5x128xf32, #tpu.memory_space<vmem>>
      %dma_wait3A_341 = tpu.memref_squeeze %dma_wait3A_340 : memref<1x256x5x128xf32, #tpu.memory_space<vmem>> -> memref<256x5x128xf32, #tpu.memory_space<vmem>>
      tpu.wait_dma2 semaphore(%dma_wait3A_332 : memref<!tpu.dma_semaphore, #tpu.memory_space<semaphore_mem>>) src(%dma_wait3A_341 : memref<256x5x128xf32, #tpu.memory_space<vmem>>) dst(%dma_wait3A_336 : memref<256x5x128xf32, #tpu.memory_space<hbm>>)
      %dma_wait3A_342 = tpu.memref_slice %arg8[%rem3A_0] : memref<6x!tpu.dma_semaphore, #tpu.memory_space<semaphore_mem>> -> memref<1x!tpu.dma_semaphore, #tpu.memory_space<semaphore_mem>>
      %dma_wait3A_343 = tpu.memref_squeeze %dma_wait3A_342 : memref<1x!tpu.dma_semaphore, #tpu.memory_space<semaphore_mem>> -> memref<!tpu.dma_semaphore, #tpu.memory_space<semaphore_mem>>
      %dma_wait3A_344 = arith.constant 0 : i32
      %dma_wait3A_345 = arith.constant 0 : i32
      %dma_wait3A_346 = arith.constant 0 : i32
      %dma_wait3A_347 = tpu.memref_slice %arg4[%dma_wait3A_344, %dma_wait3A_345, %dma_wait3A_346] : memref<16384x5x128xf32, #tpu.memory_space<hbm>> -> memref<256x5x128xf32, #tpu.memory_space<hbm>>
      %dma_wait3A_348 = arith.constant 0 : i32
      %dma_wait3A_349 = arith.constant 0 : i32
      %dma_wait3A_350 = arith.constant 0 : i32
      %dma_wait3A_351 = tpu.memref_slice %arg6[%rem3A_0, %dma_wait3A_348, %dma_wait3A_349, %dma_wait3A_350] : memref<6x256x5x128xf32, #tpu.memory_space<vmem>> -> memref<1x256x5x128xf32, #tpu.memory_space<vmem>>
      %dma_wait3A_352 = tpu.memref_squeeze %dma_wait3A_351 : memref<1x256x5x128xf32, #tpu.memory_space<vmem>> -> memref<256x5x128xf32, #tpu.memory_space<vmem>>
      tpu.wait_dma2 semaphore(%dma_wait3A_343 : memref<!tpu.dma_semaphore, #tpu.memory_space<semaphore_mem>>) src(%dma_wait3A_352 : memref<256x5x128xf32, #tpu.memory_space<vmem>>) dst(%dma_wait3A_347 : memref<256x5x128xf32, #tpu.memory_space<hbm>>)
    } else {
    }
    return
  }
  func.func @transform_1(%arg0: i32) -> (i32, i32) {
    %c0_i32 = arith.constant 0 : i32
    %c0_i32_0 = arith.constant 0 : i32
    %c0_i32_1 = arith.constant 0 : i32
    return %c0_i32, %c0_i32_0 : i32, i32
  }
  func.func @transform_2(%arg0: i32) -> (i32, i32) {
    %c0_i32 = arith.constant 0 : i32
    %c0_i32_0 = arith.constant 0 : i32
    %c0_i32_1 = arith.constant 0 : i32
    return %c0_i32, %c0_i32_0 : i32, i32
  }
}

</mosaic_0001>

<sc_bundles>
// kernel: kernel.4.cloned.1.call-start
scs
__scs_entry_jumppad:
0x0: {  	(pc) =	sbr.rel $0x88, $3  }
0x1: {  	(tag) =	ssettag $0x0;
	lr =	simm.s32 $0x1  }
0x2: {  	[smem:$0x3F9E] =	sst lr;
	_ =	strace $0xD0000000  }
0x3: {  	_ = 	snop  }
0x4: {  	_ = 	snop  }
0x5: {  	_ = 	snop  }
0x6: {  	_ = 	snop  }
0x7: {  	_ = 	snop  }
__scs_overlays_trampoline_lowered:
0x8: {  	[smem:$0x3FAD] =	sst s0  }
0x9: {  	[smem:$0x3FAE] =	sst s1  }
0xa: {  	[smem:$0x3FAF] =	sst s2  }
0xb: {  	[smem:$0x3FB0] =	sst s3  }
0xc: {  	[smem:$0x3FB1] =	sst s4  }
0xd: {  	[smem:$0x3FB2] =	sst s5  }
0xe: {  	[smem:$0x3FB3] =	sst s6  }
0xf: {  	[smem:$0x3FB4] =	sst s7  }
0x10: {  	[smem:$0x3FB5] =	sst s8  }
0x11: {  	[smem:$0x3FB6] =	sst s9;
	s0 =	simm.s32 @!p0 $0x0  }
0x12: {  	s1 =	sld [smem:$0x3F9C];
	s0 =	simm.s32 @p0 $0x1  }
0x13: {  	[smem:$0x3FB7] =	sst s0;
	s0 =	simm.s32 @!p1 $0x0  }
0x14: {  	s2 =	sld [smem:$0x3F9B];
	s0 =	simm.s32 @p1 $0x1  }
0x15: {  	[smem:$0x3FB8] =	sst s0;
	s0 =	simm.s32 @!p2 $0x0  }
0x16: {  	s3 =	sld [smem:$0x3FDB];
	s0 =	simm.s32 @p2 $0x1  }
0x17: {  	s4 =	simm.s32 $0x1BF5;
	[smem:$0x3FBA] =	sst s0  }
0x18: {  	s0 =	sld [smem:$0x3F9D];
	_ =	swait.ge [sflag:s4], $0x0  }
0x19: {  	s7 =	sld [smem:$0x3F9E]  }
0x1a: {  	s8 =	sadd.s32 $0xFFFFE003, lr  }
0x1b: {  	s9 =	sadd.s32 $0xFFFFFEF7, lr;
	s5 =	simm.s32 $0xFFFFFFFF;
	p2 =	slt.u32 s8, $0xFFFFF086  }
0x1c: {  	p1 =	slt.u32 s9, $0xF7A;
	s5 =	simm.s32 @!p2 $0x0  }
0x1d: {  	s5 =	simm.s32 @p1 $0x1;
	p0 =	seq.s32 s7, s2  }
0x1e: {  	s7 =	smul.u32 @!p0 $0xF7A, s2;
	p2 =	seq.s32 @!p0 s5, $0x0  }
0x1f: {  	s9 =	smul.u32 $0xF7A, s1;
	s8 =	simm.s32 @!p0 $0x1BF5;
	p2 =	por !p2, p0  }
0x20: {  	[sflag:s8] =	ssyncset.s32 @!p0 $0xFFFFF086;
	s6 =	sadd.s32 @!p0 s3, s7;
	s7 =	simm.s32 @!p0 $0x108  }
0x21: {  	s3 =	sadd.s32 s3, s9;
	s6 =	sadd.s32 @!p0 $0x88, s6;
	s7 =	simm.s32 @p2 $0x1082  }
0x22: {  	[simem:s7], [sflag:s8] =	dma.local @!p0 [hbm:s6], $0xF7A  }
0x23: {  	s9 =	sor.u32 $0xD0000000, s2;
	s6 =	simm.s32 $0x108;
	_ =	swait.ge @!p0 [sflag:s8], $0x0  }
0x24: {  	s3 =	sadd.s32 $0x88, s3;
	s6 =	simm.s32 @!p1 $0x1082;
	[sflag:s4] =	ssyncset.s32 $0xFFFFF086  }
0x25: {  	[simem:s6], [sflag:s4] =	dma.local [hbm:s3], $0xF7A  }
0x26: {  	[smem:$0x3F9E] =	sst s1;
	(tag) =	ssettag s2;
	_ =	strace s9  }
0x27: {  	s1 =	sld [smem:$0x3FAE]  }
0x28: {  	s2 =	sld [smem:$0x3FAF]  }
0x29: {  	s4 =	sld [smem:$0x3FB1]  }
0x2a: {  	p0 =	seq.s32 s5, $0x0;
	s5 =	sld [smem:$0x3FB2]  }
0x2b: {  	s6 =	sld [smem:$0x3FB3]  }
0x2c: {  	s7 =	sld [smem:$0x3FB4]  }
0x2d: {  	s3 =	simm.s32 $0x108;
	s8 =	sld [smem:$0x3FB5]  }
0x2e: {  	s3 =	simm.s32 @!p0 $0x1082;
	s9 =	sld [smem:$0x3FB6]  }
0x2f: {  	lr =	sadd.s32 s0, s3;
	s0 =	sld [smem:$0x3FAD]  }
0x30: {  	s3 =	sld [smem:$0x3FB0]  }
0x31: {  	[smem:$0x3FB9] =	sst s10  }
0x32: {  	s10 =	sld [smem:$0x3FB7];
	_ =	sdelay $0x3  }
0x33: {  	p0 =	seq.s32 s10, $0x1;
	s10 =	sld [smem:$0x3FB9];
	_ =	sdelay $0x3  }
0x34: {  	[smem:$0x3FB9] =	sst s10  }
0x35: {  	s10 =	sld [smem:$0x3FB8];
	_ =	sdelay $0x3  }
0x36: {  	p1 =	seq.s32 s10, $0x1;
	s10 =	sld [smem:$0x3FB9];
	_ =	sdelay $0x3  }
0x37: {  	[smem:$0x3FB9] =	sst s10  }
0x38: {  	s10 =	sld [smem:$0x3FBA]  }
0x39: {  	_ = 	snop;
	(pc) =	sbr.ind lr, $3  }
0x3a: {  	_ = 	snop  }
0x3b: {  	_ = 	snop  }
0x3c: {  	p2 =	seq.s32 s10, $0x1;
	s10 =	sld [smem:$0x3FB9]  }
0x3d: {  	_ =	shalt  }
0x3e: {  	_ =	shalt  }
0x3f: {  	_ =	shalt  }
0x40: {  	_ =	shalt  }
0x41: {  	_ =	shalt  }
0x42: {  	_ =	shalt  }
0x43: {  	_ =	shalt  }
0x44: {  	_ =	shalt  }
0x45: {  	_ =	shalt  }
0x46: {  	_ =	shalt  }
0x47: {  	_ =	shalt  }
0x48: {  	_ =	shalt  }
0x49: {  	_ =	shalt  }
0x4a: {  	_ =	shalt  }
0x4b: {  	_ =	shalt  }
0x4c: {  	_ =	shalt  }
0x4d: {  	_ =	shalt  }
0x4e: {  	_ =	shalt  }
0x4f: {  	_ =	shalt  }
0x50: {  	_ =	shalt  }
0x51: {  	_ =	shalt  }
0x52: {  	_ =	shalt  }
0x53: {  	_ =	shalt  }
0x54: {  	_ =	shalt  }
0x55: {  	_ =	shalt  }
0x56: {  	_ =	shalt  }
0x57: {  	_ =	shalt  }
0x58: {  	_ =	shalt  }
0x59: {  	_ =	shalt  }
0x5a: {  	_ =	shalt  }
0x5b: {  	_ =	shalt  }
0x5c: {  	_ =	shalt  }
0x5d: {  	_ =	shalt  }
0x5e: {  	_ =	shalt  }
0x5f: {  	_ =	shalt  }
0x60: {  	_ =	shalt  }
0x61: {  	_ =	shalt  }
0x62: {  	_ =	shalt  }
0x63: {  	_ =	shalt  }
0x64: {  	_ =	shalt  }
0x65: {  	_ =	shalt  }
0x66: {  	_ =	shalt  }
0x67: {  	_ =	shalt  }
0x68: {  	_ =	shalt  }
0x69: {  	_ =	shalt  }
0x6a: {  	_ =	shalt  }
0x6b: {  	_ =	shalt  }
0x6c: {  	_ =	shalt  }
0x6d: {  	_ =	shalt  }
0x6e: {  	_ =	shalt  }
0x6f: {  	_ =	shalt  }
0x70: {  	_ =	shalt  }
0x71: {  	_ =	shalt  }
0x72: {  	_ =	shalt  }
0x73: {  	_ =	shalt  }
0x74: {  	_ =	shalt  }
0x75: {  	_ =	shalt  }
0x76: {  	_ =	shalt  }
0x77: {  	_ =	shalt  }
0x78: {  	_ =	shalt  }
0x79: {  	_ =	shalt  }
0x7a: {  	_ =	shalt  }
0x7b: {  	_ =	shalt  }
0x7c: {  	_ =	shalt  }
0x7d: {  	_ =	shalt  }
0x7e: {  	_ =	shalt  }
0x7f: {  	_ =	shalt  }
0x80: {  	_ =	shalt  }
0x81: {  	_ =	shalt  }
0x82: {  	_ =	shalt  }
0x83: {  	_ =	shalt  }
0x84: {  	_ =	shalt  }
0x85: {  	_ =	shalt  }
0x86: {  	_ =	shalt  }
0x87: {  	_ =	shalt  }
.Lfunc_end0:
.L_simem_size_0:
called_computation_lowered:
.L_overlay_start_0:
0x88: {  	s2 =	sld [smem:$0x3FD9]  }
0x89: {  	s3 =	sld [smem:$0x3FFE];
	_ =	sdelay $0x1  }
0x8a: {  	s1 =	srdreg.scid  }
0x8b: {  	s0 =	sand.u32 $0x1, s1  }
0x8c: {  	s17 =	sshll.u32 s0, $0xA;
	s2 =	sadd.s32 s3, s2  }
0x8d: {  	s2 =	sadd.s32 s2, s17  }
0x8e: {  	[smem:$0x3FC5] =	sst s2  }
0x8f: {  	_ = 	snop  }
0x90: {  	s2 =	sld [smem:$0x3FD0];
	(tm) =	ssettm $0x1  }
0x91: {  	s18 =	sld [smem:$0x3FFB];
	_ =	sdelay $0x3  }
0x92: {  	_ =	strace s18  }
0x93: {  	s3 =	sld [smem:$0x3FFC];
	_ =	sdelay $0x3  }
0x94: {  	_ =	strace s3  }
0x95: {  	s3 =	sld [smem:$0x3FFD];
	_ =	sdelay $0x3  }
0x96: {  	_ =	strace s3  }
0x97: {  	_ =	strace $0x8FFFFFFF  }
0x98: {  	s19 =	sld [smem:$0x3FDB];
	_ =	sdelay $0x1  }
0x99: {  	s4 =	simm.s32 $_scs_section_size  }
0x9a: {  	s5 =	simm.s32 $_size__tile_overlayer_lowered;
	s6 =	simm.s32 $_tile_overlayer_lowered  }
0x9b: {  	s22 =	simm.s32 $0x1BFF;
	s21 =	sshll.u32 s6, $0x1;
	s3 =	sadd.s32 s4, s19  }
0x9c: {  	s7 =	simm.s32 $0x0;
	s20 =	sshll.u32 s5, $0x1;
	s5 =	sadd.s32 s21, s3  }
0x9d: {  	[timem:s7], [sflag:s22] =	dma.local [hbm:s5], s20  }
0x9e: {  	_ =	swait.ge [sflag:s22], s20  }
0x9f: {  	s4 =	ssub.s32 $0x0, s20;
	[sflag:s22] =	ssyncset.done $0x0  }
0xa0: {  	[sflag:s22] =	ssyncadd.s32 s4;
	_ =	sdelay $0x1  }
0xa1: {  	s23 =	simm.s32 $0x1B8B  }
0xa2: {  	_ =	swait.ge [sflag:s23], $0x1  }
0xa3: {  	[sflag:s23] =	ssyncset.done $0x0  }
0xa4: {  	s25 =	simm.s32 $0x1B8E;
	s24 =	sld [smem:$0x3FFE];
	[sflag:s23] =	ssyncadd.s32 $0xFFFFFFFF  }
0xa5: {  	s26 =	simm.s32 $execute0_lowered;
	[smem:$0x3FD2] =	sst s25  }
0xa6: {  	s5 =	sshll.u32 s26, $0x1;
	_ =	strace $0x80000046;
	[dreg:$0x1] =	wrdreg $0xFFFFFFFF  }
0xa7: {  	s28 =	simm.s32 $_size_execute0_lowered;
	s3 =	sadd.s32 s3, s5;
	[dreg:$0x0] =	wrdreg $0x0  }
0xa8: {  	s5 =	sshll.u32 s28, $0x1;
	[dreg:$0x2] =	wrdreg s3  }
0xa9: {  	[dreg:$0x3] =	wrdreg s5  }
0xaa: {  	[dreg:$0x4] =	wrdreg $0xC0  }
0xab: {  	_ =	task [dreg:s7], $0x5FFFF  }
0xac: {  	[dreg:$0x1] =	wrdreg $0xFFFFFFFF  }
0xad: {  	[dreg:$0x0] =	wrdreg $0x60  }
0xae: {  	[dreg:$0x2] =	wrdreg s2  }
0xaf: {  	[dreg:$0x3] =	wrdreg s24  }
0xb0: {  	[dreg:$0x4] =	wrdreg $0x9  }
0xb1: {  	_ =	task.clear_ibuf [dreg:s7], $0x5FFFF;
	_ =	strace $0x90000046  }
0xb2: {  	s29 =	simm.s32 $0x9;
	_ =	strace $0x80000048  }
0xb3: {  	_ =	swait.ge [sflag:s29], $0x1  }
0xb4: {  	[sflag:s29] =	ssyncadd.s32 $0xFFFFFFFF  }
0xb5: {  	_ =	strace $0x90000048  }
0xb6: {  	_ =	sfence  }
0xb7: {  	s30 =	sld [smem:$0x0];
	_ =	sdelay $0x2  }
0xb8: {  	s31 =	sshll.u32 s1, $0xD;
	s1 =	sshrl.u32 s1, $0x2  }
0xb9: {  	s3 =	sand.u32 $0x4000, s31;
	s1 =	sadd.s32 s1, s30  }
0xba: {  	s0 =	sor.u32 s3, s0;
	s1 =	sshll.u32 s1, $0x11  }
0xbb: {  	s0 =	sor.u32 s1, s0  }
0xbc: {  	s0 =	sadd.s32 $0x8F2B, s0  }
0xbd: {  	[sflag:s0] =	ssyncadd.remote.s32 $0x1  }
0xbe: {  	_ =	sfence.sel $0xFFFF  }
0xbf: {  	[dreg:$0x0] =	wrdreg $0xFFFFFFFF;
	(pc) =	sbr.abs _section_cstart, $3  }
0xc0: {  	[dreg:$0x1] =	wrdreg $0xFFFFFFFF  }
0xc1: {  	_ =	task.clear_ibuf [dreg:s7], $0x2FFFF;
	_ =	strace $0x9FFFFFFF  }
0xc2: {  	(tm) =	ssettm $0x7FFFFFFF  }
0xc3: {  	_ =	shalt  }
tec
execute0_lowered:
.L_overlay_start_1:
0x0: {  	(tag) =	ssettag $0x1  }
0x1: {  	s2 =	rddreg [dreg:$0x0]  }
0x2: {  	s1 =	srdreg.scid;
	s0 =	stileid.u32  }
0x3: {  	s3 =	rddreg [dreg:$0x1];
	s5 =	simm.s32 $0x0;
	s20 =	simm.s32 $0x1  }
0x4: {  	s22 =	simm.s32 $0x180;
	s30 =	sand.u32 $0x1, s1;
	s4 =	sshll.u32 s0, $0x1  }
0x5: {  	s23 =	simm.s32 $0x80;
	s1 =	rddreg [dreg:$0x2];
	s4 =	sor.u32 s30, s4  }
0x6: {  	s29 =	simm.s32 $0x4;
	[smem:$0x7FF] =	sst s5;
	s26 =	smul.u32 $0x30000, s4  }
0x7: {  	s31 =	sshll.u32 s0, $0x6;
	_ =	strace $0x80000047;
	s4 =	sshll.u32 s4, $0x10  }
0x8: {  	s5 =	sor.u32 $0x1C01, s31;
	s2 =	sadd.s32 s2, s4;
	s28 =	sadd.s32 s26, s3  }
0x9: {  	s3 =	sadd.s32 $0x20, s2;
	s9 =	sadd.s32 $0x10, s2;
	s17 =	sadd.s32 $0x30, s2  }
0xa: {  	s24 =	sadd.s32 $0x40, s2;
	s4 =	sadd.s32 $0x800, s28;
	s6 =	sadd.s32 $0x810, s28  }
0xb: {  	s7 =	sadd.s32 $0x820, s28;
	s8 =	sadd.s32 $0x830, s28;
	s10 =	sadd.s32 $0x840, s28  }
0xc: {  	s11 =	sadd.s32 $0x850, s28;
	s12 =	sadd.s32 $0x860, s28;
	s13 =	sadd.s32 $0x870, s28  }
0xd: {  	s14 =	sadd.s32 $0x880, s28;
	s15 =	sadd.s32 $0x890, s28;
	s16 =	sadd.s32 $0x8A0, s28  }
0xe: {  	s18 =	sadd.s32 $0x8B0, s28;
	s19 =	sadd.s32 $0x8C0, s28;
	s21 =	sadd.s32 $0x8D0, s28  }
0xf: {  	s25 =	sadd.s32 $0x8E0, s28;
	s26 =	sadd.s32 $0x8F0, s28;
	s28 =	sadd.s32 $0x900, s28  }
0x10: {  	[hbm:s4@s22], [sflag:s5] =	dma.strided [hbm:s3@s23], $0x2000, s20, $0x10   }
0x11: {  	[hbm:s6@s22], [sflag:s5] =	dma.strided [hbm:s2@s23], $0x2000, s20, $0x10   }
0x12: {  	[hbm:s7@s22], [sflag:s5] =	dma.strided [hbm:s2@s23], $0x2000, s20, $0x10   }
0x13: {  	[hbm:s8@s22], [sflag:s5] =	dma.strided [hbm:s2@s23], $0x2000, s20, $0x10   }
0x14: {  	[hbm:s10@s22], [sflag:s5] =	dma.strided [hbm:s9@s23], $0x2000, s20, $0x10   }
0x15: {  	[hbm:s11@s22], [sflag:s5] =	dma.strided [hbm:s9@s23], $0x2000, s20, $0x10   }
0x16: {  	[hbm:s12@s22], [sflag:s5] =	dma.strided [hbm:s9@s23], $0x2000, s20, $0x10   }
0x17: {  	[hbm:s13@s22], [sflag:s5] =	dma.strided [hbm:s3@s23], $0x2000, s20, $0x10   }
0x18: {  	[hbm:s14@s22], [sflag:s5] =	dma.strided [hbm:s3@s23], $0x2000, s20, $0x10   }
0x19: {  	[hbm:s15@s22], [sflag:s5] =	dma.strided [hbm:s3@s23], $0x2000, s20, $0x10   }
0x1a: {  	[hbm:s16@s22], [sflag:s5] =	dma.strided [hbm:s3@s23], $0x2000, s20, $0x10   }
0x1b: {  	[hbm:s18@s22], [sflag:s5] =	dma.strided [hbm:s17@s23], $0x2000, s20, $0x10   }
0x1c: {  	[hbm:s19@s22], [sflag:s5] =	dma.strided [hbm:s17@s23], $0x2000, s20, $0x10   }
0x1d: {  	[hbm:s21@s22], [sflag:s5] =	dma.strided [hbm:s17@s23], $0x2000, s20, $0x10   }
0x1e: {  	[hbm:s25@s22], [sflag:s5] =	dma.strided [hbm:s24@s23], $0x2000, s20, $0x10   }
0x1f: {  	[hbm:s26@s22], [sflag:s5] =	dma.strided [hbm:s24@s23], $0x2000, s20, $0x10   }
0x20: {  	[hbm:s28@s22], [sflag:s5] =	dma.strided [hbm:s24@s23], $0x8000, s29, $0x10   }
0x21: {  	_ =	swait.ge [sflag:s20], $0x2000  }
0x22: {  	[sflag:s20] =	ssyncset.done $0x0  }
0x23: {  	[sflag:s20] =	ssyncadd.s32 $0xFFFFE000  }
0x24: {  	_ =	swait.ge [sflag:s20], $0x2000  }
0x25: {  	[sflag:s20] =	ssyncset.done $0x0  }
0x26: {  	[sflag:s20] =	ssyncadd.s32 $0xFFFFE000  }
0x27: {  	_ =	swait.ge [sflag:s20], $0x2000  }
0x28: {  	[sflag:s20] =	ssyncset.done $0x0  }
0x29: {  	[sflag:s20] =	ssyncadd.s32 $0xFFFFE000  }
0x2a: {  	_ =	swait.ge [sflag:s20], $0x2000  }
0x2b: {  	[sflag:s20] =	ssyncset.done $0x0  }
0x2c: {  	[sflag:s20] =	ssyncadd.s32 $0xFFFFE000  }
0x2d: {  	_ =	swait.ge [sflag:s20], $0x2000  }
0x2e: {  	[sflag:s20] =	ssyncset.done $0x0  }
0x2f: {  	[sflag:s20] =	ssyncadd.s32 $0xFFFFE000  }
0x30: {  	_ =	swait.ge [sflag:s20], $0x2000  }
0x31: {  	[sflag:s20] =	ssyncset.done $0x0  }
0x32: {  	[sflag:s20] =	ssyncadd.s32 $0xFFFFE000  }
0x33: {  	_ =	swait.ge [sflag:s20], $0x2000  }
0x34: {  	[sflag:s20] =	ssyncset.done $0x0  }
0x35: {  	[sflag:s20] =	ssyncadd.s32 $0xFFFFE000  }
0x36: {  	_ =	swait.ge [sflag:s20], $0x2000  }
0x37: {  	[sflag:s20] =	ssyncset.done $0x0  }
0x38: {  	[sflag:s20] =	ssyncadd.s32 $0xFFFFE000  }
0x39: {  	_ =	swait.ge [sflag:s20], $0x2000  }
0x3a: {  	[sflag:s20] =	ssyncset.done $0x0  }
0x3b: {  	[sflag:s20] =	ssyncadd.s32 $0xFFFFE000  }
0x3c: {  	_ =	swait.ge [sflag:s20], $0x2000  }
0x3d: {  	[sflag:s20] =	ssyncset.done $0x0  }
0x3e: {  	[sflag:s20] =	ssyncadd.s32 $0xFFFFE000  }
0x3f: {  	_ =	swait.ge [sflag:s20], $0x2000  }
0x40: {  	[sflag:s20] =	ssyncset.done $0x0  }
0x41: {  	[sflag:s20] =	ssyncadd.s32 $0xFFFFE000  }
0x42: {  	_ =	swait.ge [sflag:s20], $0x2000  }
0x43: {  	[sflag:s20] =	ssyncset.done $0x0  }
0x44: {  	[sflag:s20] =	ssyncadd.s32 $0xFFFFE000  }
0x45: {  	_ =	swait.ge [sflag:s20], $0x2000  }
0x46: {  	[sflag:s20] =	ssyncset.done $0x0  }
0x47: {  	[sflag:s20] =	ssyncadd.s32 $0xFFFFE000  }
0x48: {  	_ =	swait.ge [sflag:s20], $0x2000  }
0x49: {  	s30 =	ssub.s32 $0x2, s30;
	[sflag:s20] =	ssyncset.done $0x0  }
0x4a: {  	s31 =	sshrl.u32 s30, $0x1;
	[sflag:s20] =	ssyncadd.s32 $0xFFFFE000  }
0x4b: {  	s30 =	ssub.s32 s30, s31;
	_ =	swait.ge [sflag:s20], $0x2000  }
0x4c: {  	s30 =	smax.u32 s30, $0x1;
	[sflag:s20] =	ssyncset.done $0x0  }
0x4d: {  	p0 =	sne.s32 s30, $0x1;
	[sflag:s20] =	ssyncadd.s32 $0xFFFFE000  }
.Ltmp0:
0x4e: {  	_ =	swait.ge [sflag:s20], $0x2000;
	(pc) =	sbr.rel @!p0 .LBB2_2-.Ltmp0, $4  }
0x4f: {  	[sflag:s20] =	ssyncset.done $0x0  }
0x50: {  	[sflag:s20] =	ssyncadd.s32 $0xFFFFE000  }
0x51: {  	_ =	swait.ge [sflag:s20], $0x8000  }
0x52: {  	s30 =	sadd.s32 $0xFFFFFFFF, s30;
	[sflag:s20] =	ssyncset.done $0x0  }
.LBB2_1:
0x53: {  	p0 =	sne.s32 s30, $0x1;
	s30 =	sadd.s32 $0xFFFFFFFF, s30;
	[sflag:s20] =	ssyncadd.s32 $0xFFFF8000  }
0x54: {  	[hbm:s4@s22], [sflag:s5] =	dma.strided [hbm:s3@s23], $0x2000, s20, $0x10   }
0x55: {  	[hbm:s6@s22], [sflag:s5] =	dma.strided [hbm:s2@s23], $0x2000, s20, $0x10   }
0x56: {  	[hbm:s7@s22], [sflag:s5] =	dma.strided [hbm:s2@s23], $0x2000, s20, $0x10   }
0x57: {  	[hbm:s8@s22], [sflag:s5] =	dma.strided [hbm:s2@s23], $0x2000, s20, $0x10   }
0x58: {  	[hbm:s10@s22], [sflag:s5] =	dma.strided [hbm:s9@s23], $0x2000, s20, $0x10   }
0x59: {  	[hbm:s11@s22], [sflag:s5] =	dma.strided [hbm:s9@s23], $0x2000, s20, $0x10   }
0x5a: {  	[hbm:s12@s22], [sflag:s5] =	dma.strided [hbm:s9@s23], $0x2000, s20, $0x10   }
0x5b: {  	[hbm:s13@s22], [sflag:s5] =	dma.strided [hbm:s3@s23], $0x2000, s20, $0x10   }
0x5c: {  	[hbm:s14@s22], [sflag:s5] =	dma.strided [hbm:s3@s23], $0x2000, s20, $0x10   }
0x5d: {  	[hbm:s15@s22], [sflag:s5] =	dma.strided [hbm:s3@s23], $0x2000, s20, $0x10   }
0x5e: {  	[hbm:s16@s22], [sflag:s5] =	dma.strided [hbm:s3@s23], $0x2000, s20, $0x10   }
0x5f: {  	[hbm:s18@s22], [sflag:s5] =	dma.strided [hbm:s17@s23], $0x2000, s20, $0x10   }
0x60: {  	[hbm:s19@s22], [sflag:s5] =	dma.strided [hbm:s17@s23], $0x2000, s20, $0x10   }
0x61: {  	[hbm:s21@s22], [sflag:s5] =	dma.strided [hbm:s17@s23], $0x2000, s20, $0x10   }
0x62: {  	[hbm:s25@s22], [sflag:s5] =	dma.strided [hbm:s24@s23], $0x2000, s20, $0x10   }
0x63: {  	[hbm:s26@s22], [sflag:s5] =	dma.strided [hbm:s24@s23], $0x2000, s20, $0x10   }
0x64: {  	[hbm:s28@s22], [sflag:s5] =	dma.strided [hbm:s24@s23], $0x8000, s29, $0x10   }
0x65: {  	_ =	swait.ge [sflag:s20], $0x2000  }
0x66: {  	[sflag:s20] =	ssyncset.done $0x0  }
0x67: {  	[sflag:s20] =	ssyncadd.s32 $0xFFFFE000  }
0x68: {  	_ =	swait.ge [sflag:s20], $0x2000  }
0x69: {  	[sflag:s20] =	ssyncset.done $0x0  }
0x6a: {  	[sflag:s20] =	ssyncadd.s32 $0xFFFFE000  }
0x6b: {  	_ =	swait.ge [sflag:s20], $0x2000  }
0x6c: {  	[sflag:s20] =	ssyncset.done $0x0  }
0x6d: {  	[sflag:s20] =	ssyncadd.s32 $0xFFFFE000  }
0x6e: {  	_ =	swait.ge [sflag:s20], $0x2000  }
0x6f: {  	[sflag:s20] =	ssyncset.done $0x0  }
0x70: {  	[sflag:s20] =	ssyncadd.s32 $0xFFFFE000  }
0x71: {  	_ =	swait.ge [sflag:s20], $0x2000  }
0x72: {  	[sflag:s20] =	ssyncset.done $0x0  }
0x73: {  	[sflag:s20] =	ssyncadd.s32 $0xFFFFE000  }
0x74: {  	_ =	swait.ge [sflag:s20], $0x2000  }
0x75: {  	[sflag:s20] =	ssyncset.done $0x0  }
0x76: {  	[sflag:s20] =	ssyncadd.s32 $0xFFFFE000  }
0x77: {  	_ =	swait.ge [sflag:s20], $0x2000  }
0x78: {  	[sflag:s20] =	ssyncset.done $0x0  }
0x79: {  	[sflag:s20] =	ssyncadd.s32 $0xFFFFE000  }
0x7a: {  	_ =	swait.ge [sflag:s20], $0x2000  }
0x7b: {  	[sflag:s20] =	ssyncset.done $0x0  }
0x7c: {  	[sflag:s20] =	ssyncadd.s32 $0xFFFFE000  }
0x7d: {  	_ =	swait.ge [sflag:s20], $0x2000  }
0x7e: {  	[sflag:s20] =	ssyncset.done $0x0  }
0x7f: {  	[sflag:s20] =	ssyncadd.s32 $0xFFFFE000  }
0x80: {  	_ =	swait.ge [sflag:s20], $0x2000  }
0x81: {  	[sflag:s20] =	ssyncset.done $0x0  }
0x82: {  	[sflag:s20] =	ssyncadd.s32 $0xFFFFE000  }
0x83: {  	_ =	swait.ge [sflag:s20], $0x2000  }
0x84: {  	[sflag:s20] =	ssyncset.done $0x0  }
0x85: {  	[sflag:s20] =	ssyncadd.s32 $0xFFFFE000  }
0x86: {  	_ =	swait.ge [sflag:s20], $0x2000  }
0x87: {  	[sflag:s20] =	ssyncset.done $0x0  }
0x88: {  	[sflag:s20] =	ssyncadd.s32 $0xFFFFE000  }
0x89: {  	_ =	swait.ge [sflag:s20], $0x2000  }
0x8a: {  	[sflag:s20] =	ssyncset.done $0x0  }
0x8b: {  	[sflag:s20] =	ssyncadd.s32 $0xFFFFE000  }
0x8c: {  	_ =	swait.ge [sflag:s20], $0x2000  }
0x8d: {  	[sflag:s20] =	ssyncset.done $0x0  }
0x8e: {  	[sflag:s20] =	ssyncadd.s32 $0xFFFFE000  }
0x8f: {  	_ =	swait.ge [sflag:s20], $0x2000  }
0x90: {  	[sflag:s20] =	ssyncset.done $0x0  }
0x91: {  	[sflag:s20] =	ssyncadd.s32 $0xFFFFE000  }
.Ltmp1:
0x92: {  	_ =	swait.ge [sflag:s20], $0x2000;
	(pc) =	sbr.rel @p0 .LBB2_1-.Ltmp1, $4  }
0x93: {  	[sflag:s20] =	ssyncset.done $0x0  }
0x94: {  	[sflag:s20] =	ssyncadd.s32 $0xFFFFE000  }
0x95: {  	_ =	swait.ge [sflag:s20], $0x8000  }
0x96: {  	[sflag:s20] =	ssyncset.done $0x0  }
.LBB2_2:
0x97: {  	[sflag:s20] =	ssyncadd.s32 $0xFFFF8000  }
0x98: {  	_ =	sfence.sel $0x180000  }
0x99: {  	[bflag:$0x0] =	sbarrier.arrive $0xFFFF  }
0x9a: {  	p0 =	sne.s32 s0, $0x0;
	_ =	strace $0x90000047  }
0x9b: {  	s0 =	sadd.s32 @!p0 $0x100000, s1;
	[bflag:$0x2] =	sbarrier.arrive $0xFFFF  }
0x9c: {  	[sflag:s0] =	ssyncadd.tile.s32 @!p0 $0x1;
	_ =	shalt  }
.Lfunc_end2:
_tile_overlayer_lowered:
.L_overlay_start_2:
0x9d: {  	(tag) =	ssettag $0x2  }
0x9e: {  	s0 =	rddreg [dreg:$0x0];
	s2 =	stileid.u32  }
0x9f: {  	s1 =	rddreg [dreg:$0x1];
	p0 =	sne.s32 s2, $0x0  }
0xa0: {  	s3 =	rddreg [dreg:$0x2];
	[bflag:$0x3] =	sbarrier.arrive $0xFFFF;
	s2 =	simm.s32 @!p0 $0x1C02  }
0xa1: {  	[timem:s3], [sflag:s2] =	dma.local @!p0 [hbm:s0], s1  }
0xa2: {  	s0 =	simm.s32 @!p0 $0x2  }
0xa3: {  	_ =	swait.ge @!p0 [sflag:s0], s1  }
0xa4: {  	s1 =	ssub.s32 @!p0 $0x0, s1;
	[sflag:s0] =	ssyncset.done @!p0 $0x0  }
0xa5: {  	[sflag:s0] =	ssyncadd.s32 @!p0 s1  }
0xa6: {  	[bflag:$0x3] =	sbarrier.arrive $0xFFFF  }
0xa7: {  	_ =	shalt  }

</sc_bundles>
